<compile_context>
chip_gen: v7x
topology: tpu7x:2x2x1
jax: 0.10.2.dev20260603
libtpu: 0.0.44.dev20260713+nightly
codegen_flags: <defaults>
</compile_context>

<pallas_src>
import functools

import jax
import jax.numpy as jnp
from jax import lax
from jax.experimental import pallas as pl
from jax.experimental.pallas import tpu as pltpu
from jax.experimental.pallas import tpu_sc as plsc

N = 10000
D = 128
HALF = 64
K = 50
ALPHA = 0.1
NS = 16
NC = 2
CH = 128
NPT = N // NS
NROW = 125
NCHUNK = NPT // NROW
N_AGG = 10240
DEGW = 16


def _rsqrt_newton(d):
    i = plsc.bitcast(d, jnp.int32)
    i = jnp.int32(0x5F3759DF) - (i >> 1)
    y = plsc.bitcast(i, jnp.float32)
    for _ in range(3):
        y = y * (1.5 - 0.5 * d * y * y)
    return y


def _prop_body(ah_hbm, src_hbm, dst_hbm, z_hbm, zt_hbm,
               srcv, dstv, eb0, eb1, dinvv,
               hb, agg_sh, g0, g1, s0, s1):
    c = lax.axis_index("c")
    s = lax.axis_index("s")
    cN = c * N
    cpt = dstv.shape[0]
    scpt = cpt // 2
    ebs = (eb0, eb1)
    gsem = (g0, g1)
    ssem = (s0, s1)

    pltpu.sync_copy(src_hbm.at[s], srcv)
    pltpu.sync_copy(dst_hbm.at[s], dstv)

    @pl.loop(0, scpt)
    def _shift(j):
        for q in range(2 * CH // 16):
            sl = pl.ds(q * 16, 16)
            srcv[j, sl] = srcv[j, sl] + cN

    zero = jnp.zeros((16,), jnp.float32)
    e0 = jnp.where(lax.iota(jnp.int32, 16) == 0, 1.0, 0.0)

    @pl.loop(0, 2 * CH)
    def _fill(i):
        for q in range(HALF // 16):
            eb0[i, pl.ds(q * 16, 16)] = zero
            eb1[i, pl.ds(q * 16, 16)] = e0 if q == 0 else zero

    @pl.loop(0, 5)
    def _zagg(k):
        pltpu.sync_copy(eb0.at[pl.ds(0, 128)],
                        agg_sh.at[pl.ds(s * 640 + k * 128, 128)])

    plsc.subcore_barrier()

    @pl.loop(0, cpt)
    def _deg(j):
        pltpu.sync_copy(eb1.at[pl.ds(0, CH)], agg_sh.at[dstv.at[j]], add=True)

    plsc.subcore_barrier()

    lane = lax.iota(jnp.int32, 16)
    zlane = jnp.zeros((16,), jnp.int32)

    @pl.loop(0, 5)
    def _dinv(cc):
        pltpu.sync_copy(agg_sh.at[pl.ds(s * NPT + cc * 128, 128)],
                        eb1.at[pl.ds(0, 128)])

        @pl.loop(0, 8)
        def _grp(g):
            dvals = plsc.load_gather(eb1, [g * 16 + lane, zlane])
            dinvv[pl.ds(cc * 128 + g * 16, 16)] = _rsqrt_newton(dvals)

    plsc.subcore_barrier()

    @pl.loop(0, 5)
    def _zagg2(k):
        pltpu.sync_copy(eb0.at[pl.ds(0, 128)],
                        agg_sh.at[pl.ds(s * 640 + k * 128, 128)])

    @pl.loop(0, NCHUNK)
    def _init(k):
        r0 = s * NPT + k * NROW
        pltpu.sync_copy(ah_hbm.at[pl.ds(cN + r0, NROW)], hb)

        @pl.loop(0, NROW)
        def _rows(i):
            dv = (1.0 / ALPHA) * dinvv[pl.ds(k * NROW + i, 16)][0]
            for q in range(HALF // 16):
                sl = pl.ds(q * 16, 16)
                hb[i, sl] = dv * hb[i, sl]

        pltpu.sync_copy(hb, zt_hbm.at[pl.ds(cN + r0, NROW)])

    plsc.subcore_barrier()

    @pl.loop(0, K)
    def _step(t):
        for b in range(2):
            pltpu.async_copy(zt_hbm.at[srcv.at[b]], ebs[b], gsem[b])

        @pl.loop(0, scpt // 2)
        def _edges(kk):
            for b in range(2):
                j = 2 * kk + b
                pltpu.make_async_copy(zt_hbm.at[srcv.at[j]],
                                      ebs[b], gsem[b]).wait()
                pltpu.async_copy(ebs[b].at[pl.ds(0, CH)],
                                 agg_sh.at[dstv.at[2 * j]], ssem[b], add=True)
                pltpu.async_copy(ebs[b].at[pl.ds(CH, CH)],
                                 agg_sh.at[dstv.at[2 * j + 1]], ssem[b],
                                 add=True)

                @pl.when(j + 2 < scpt)
                def _next():
                    pltpu.make_async_copy(
                        ebs[b].at[pl.ds(0, CH)],
                        agg_sh.at[dstv.at[2 * j]], ssem[b]).wait()
                    pltpu.make_async_copy(
                        ebs[b].at[pl.ds(CH, CH)],
                        agg_sh.at[dstv.at[2 * j + 1]], ssem[b]).wait()
                    pltpu.async_copy(zt_hbm.at[srcv.at[j + 2]],
                                     ebs[b], gsem[b])

        for b in range(2):
            j = scpt - 2 + b
            pltpu.make_async_copy(ebs[b].at[pl.ds(0, CH)],
                                  agg_sh.at[dstv.at[2 * j]], ssem[b]).wait()
            pltpu.make_async_copy(ebs[b].at[pl.ds(CH, CH)],
                                  agg_sh.at[dstv.at[2 * j + 1]], ssem[b]).wait()

        plsc.subcore_barrier()

        @pl.loop(0, NCHUNK)
        def _nodes(k):
            r0 = s * NPT + k * NROW
            pltpu.sync_copy(agg_sh.at[pl.ds(r0, NROW)], eb0.at[pl.ds(0, NROW)])
            pltpu.sync_copy(ah_hbm.at[pl.ds(cN + r0, NROW)], hb)

            @pl.loop(0, NROW)
            def _rows(i):
                dv = dinvv[pl.ds(k * NROW + i, 16)][0]
                a9 = (1.0 - ALPHA) * dv
                for q in range(HALF // 16):
                    sl = pl.ds(q * 16, 16)
                    zv = a9 * eb0[i, sl] + hb[i, sl]
                    hb[i, sl] = zv
                    eb1[i, sl] = dv * zv
                    eb0[i, sl] = zero

            pltpu.sync_copy(eb1.at[pl.ds(0, NROW)], zt_hbm.at[pl.ds(cN + r0, NROW)])
            pltpu.sync_copy(eb0.at[pl.ds(0, NROW)], agg_sh.at[pl.ds(r0, NROW)])

            @pl.when(t == K - 1)
            def _zout():
                pltpu.sync_copy(hb, z_hbm.at[pl.ds(cN + r0, NROW)])

        plsc.subcore_barrier()


def _propagate(ah2, srcp, dstp):
    cpt = dstp.shape[1]
    mesh = plsc.VectorSubcoreMesh(core_axis_name="c", subcore_axis_name="s")
    fn = pl.kernel(
        _prop_body,
        out_type=(jax.ShapeDtypeStruct((NC * N, HALF), jnp.float32),
                  jax.ShapeDtypeStruct((NC * N, HALF), jnp.float32)),
        mesh=mesh,
        scratch_types=[
            pltpu.VMEM((cpt // 2, 2 * CH), jnp.int32),
            pltpu.VMEM((cpt, CH), jnp.int32),
            pltpu.VMEM((2 * CH, HALF), jnp.float32),
            pltpu.VMEM((2 * CH, HALF), jnp.float32),
            pltpu.VMEM((640,), jnp.float32),
            pltpu.VMEM((NROW, HALF), jnp.float32),
            pltpu.VMEM_SHARED((N_AGG, HALF), jnp.float32),
        ] + [pltpu.SemaphoreType.DMA] * 4,
        compiler_params=pltpu.CompilerParams(use_tc_tiling_on_sc=False,
                                             needs_layout_passes=False),
    )
    return fn(ah2, srcp, dstp)


def _linear_body(x_ref, w_ref, b_ref, o0_ref, o1_ref):
    h = jnp.dot(x_ref[...], w_ref[...], preferred_element_type=jnp.float32)
    h = ALPHA * jnp.maximum(h + b_ref[...], 0.0)
    o0_ref[...] = h[:, :HALF]
    o1_ref[...] = h[:, HALF:]


def _linear(x, W, b):
    B = 1000
    h0, h1 = pl.pallas_call(
        _linear_body,
        grid=(N // B,),
        in_specs=[pl.BlockSpec((B, D), lambda i: (i, 0)),
                  pl.BlockSpec((D, D), lambda i: (0, 0)),
                  pl.BlockSpec((1, D), lambda i: (0, 0))],
        out_specs=[pl.BlockSpec((B, HALF), lambda i: (i, 0)),
                   pl.BlockSpec((B, HALF), lambda i: (i, 0))],
        out_shape=[jax.ShapeDtypeStruct((N, HALF), jnp.float32)] * 2,
    )(x, W, b.reshape(1, D))
    return jnp.concatenate([h0, h1], axis=0)


def _lsm_body(z0_ref, z1_ref, o_ref):
    v = jnp.concatenate([z0_ref[...], z1_ref[...]], axis=1)
    m = jnp.max(v, axis=1, keepdims=True)
    lse = jnp.log(jnp.sum(jnp.exp(v - m), axis=1, keepdims=True)) + m
    o_ref[...] = v - lse


def _logsoftmax(z0, z1):
    B = 1000
    return pl.pallas_call(
        _lsm_body,
        grid=(N // B,),
        in_specs=[pl.BlockSpec((B, HALF), lambda i: (i, 0)),
                  pl.BlockSpec((B, HALF), lambda i: (i, 0))],
        out_specs=pl.BlockSpec((B, D), lambda i: (i, 0)),
        out_shape=jax.ShapeDtypeStruct((N, D), jnp.float32),
    )(z0, z1)


def kernel(x, edge_index, W, b):
    E = edge_index.shape[1] + N
    loop = jnp.arange(N, dtype=jnp.int32)
    cpt = -(-E // (NS * CH))
    cpt = -(-cpt // 4) * 4
    e_pad = NS * cpt * CH
    pad = e_pad - E
    pad_src = (jnp.arange(pad, dtype=jnp.int32) * 131) % N
    pad_dst = N + (jnp.arange(pad, dtype=jnp.int32) % 16)
    srcp = jnp.concatenate([edge_index[0], loop, pad_src]).reshape(
        NS, cpt // 2, 2 * CH)
    dstp = jnp.concatenate([edge_index[1], loop, pad_dst]).reshape(
        NS, cpt, CH)

    ah2 = _linear(x, W, b)
    z2, _ = _propagate(ah2, srcp, dstp)
    return _logsoftmax(z2[:N], z2[N:])

# --- scband reference (transcript-rebuilt; emitter-appended) ---
"""Pipeline reference for scband-appnp-66907000537298 (READ-ONLY COPY).

The authoritative reference and input builder live on the scoring server;
editing this copy changes nothing except your own understanding.
"""

import jax, jax.numpy as jnp
import numpy as np

N = 10000
E = 320000
D_IN = 128
D_OUT = 128
K = 50
ALPHA = 0.1


def setup_inputs(seed: int = 0) -> dict:
    key = jax.random.key(seed)
    k1, k2, k3, k4 = jax.random.split(key, 4)
    x = jax.random.normal(k1, (N, D_IN), dtype=jnp.float32)
    edge_index = jax.random.randint(k2, (2, E), 0, N, dtype=jnp.int32)
    # Linear layer params (Glorot-ish init)
    W = jax.random.normal(k3, (D_IN, D_OUT), dtype=jnp.float32) * (1.0 / np.sqrt(D_IN))
    b = jnp.zeros((D_OUT,), dtype=jnp.float32)
    return {"x": x, "edge_index": edge_index, "W": W, "b": b}


def reference(x, edge_index, W, b):
    # Dropout is identity in eval mode (training=False).
    h = jnp.maximum(x @ W + b, 0.0)  # lin + relu

    n = x.shape[0]
    loop = jnp.arange(n, dtype=edge_index.dtype)
    src = jnp.concatenate([edge_index[0], loop])  # add self loops
    dst = jnp.concatenate([edge_index[1], loop])

    # GCN symmetric normalization: deg computed on dst after self-loops
    ones = jnp.ones_like(src, dtype=h.dtype)
    deg = jax.ops.segment_sum(ones, dst, num_segments=n)
    dinv = jax.lax.rsqrt(jnp.maximum(deg, 1e-12))
    norm = dinv[src] * dinv[dst]  # [E+N]

    def body(z, _):
        msg = norm[:, None] * z[src]                       # gather
        agg = jax.ops.segment_sum(msg, dst, num_segments=n)  # scatter-add
        z_new = (1.0 - ALPHA) * agg + ALPHA * h
        return z_new, None

    z, _ = jax.lax.scan(body, h, None, length=K)
    return jax.nn.log_softmax(z, axis=1)

if __name__ == "__main__":
    import jax
    _d = setup_inputs()
    print(jax.jit(kernel)(*tuple(_d.values())))

</pallas_src>

<mosaic_0001>
#map = affine_map<(d0, d1) -> (0, 0)>
#map1 = affine_map<(d0, d1) -> (0, 0, 0)>
module attributes {stable_mosaic.version = 14 : i64} {
  func.func @_prop_body(%arg0: i32, %arg1: i32, %arg2: memref<20000x64xf32, #tpu.memory_space<hbm>>, %arg3: memref<16x82x256xi32, #tpu.memory_space<hbm>>, %arg4: memref<16x164x128xi32, #tpu.memory_space<hbm>>, %arg5: memref<20000x64xf32, #tpu.memory_space<hbm>>, %arg6: memref<20000x64xf32, #tpu.memory_space<hbm>>, %arg7: memref<82x256xi32, #tpu.memory_space<vmem>>, %arg8: memref<164x128xi32, #tpu.memory_space<vmem>>, %arg9: memref<256x64xf32, #tpu.memory_space<vmem>>, %arg10: memref<256x64xf32, #tpu.memory_space<vmem>>, %arg11: memref<640xf32, #tpu.memory_space<vmem>>, %arg12: memref<125x64xf32, #tpu.memory_space<vmem>>, %arg13: memref<10240x64xf32, #tpu.memory_space<vmem_shared>>, %arg14: memref<!tpu.dma_semaphore, #tpu.memory_space<semaphore_mem>>, %arg15: memref<!tpu.dma_semaphore, #tpu.memory_space<semaphore_mem>>, %arg16: memref<!tpu.dma_semaphore, #tpu.memory_space<semaphore_mem>>, %arg17: memref<!tpu.dma_semaphore, #tpu.memory_space<semaphore_mem>>) attributes {dimension_semantics = [#tpu.dimension_semantics<core_parallel>, #tpu.dimension_semantics<subcore_parallel>], iteration_bounds = array<i64: 2, 16>, scalar_prefetch = 0 : i64, scratch_operands = 11 : i64, tpu.core_type = #tpu.core_type<sc_vector_subcore>, window_params = [{transform_indices = #map}, {transform_indices = #map1}, {transform_indices = #map1}, {transform_indices = #map}, {transform_indices = #map}]} {
    %mul3A = arith.constant 10000 : i32
    %mul3A_0 = arith.muli %arg0, %mul3A : i32
    "tpu.region"() ({
      %run_scoped3A = tpu.sem_alloc : memref<!tpu.dma_semaphore, #tpu.memory_space<semaphore_mem>>
      %dma_start3A = arith.constant 0 : i32
      %dma_start3A_52 = arith.constant 0 : i32
      %dma_start3A_53 = tpu.memref_slice %arg3[%arg1, %dma_start3A, %dma_start3A_52] : memref<16x82x256xi32, #tpu.memory_space<hbm>> -> memref<1x82x256xi32, #tpu.memory_space<hbm>>
      %dma_start3A_54 = tpu.memref_squeeze %dma_start3A_53 : memref<1x82x256xi32, #tpu.memory_space<hbm>> -> memref<82x256xi32, #tpu.memory_space<hbm>>
      %dma_start3A_55 = arith.constant 0 : i32
      %dma_start3A_56 = arith.constant 0 : i32
      %dma_start3A_57 = tpu.memref_slice %arg3[%arg1, %dma_start3A_55, %dma_start3A_56] : memref<16x82x256xi32, #tpu.memory_space<hbm>> -> memref<1x82x256xi32, #tpu.memory_space<hbm>>
      %dma_start3A_58 = tpu.memref_squeeze %dma_start3A_57 : memref<1x82x256xi32, #tpu.memory_space<hbm>> -> memref<82x256xi32, #tpu.memory_space<hbm>>
      tpu.enqueue_dma source(%dma_start3A_58 : memref<82x256xi32, #tpu.memory_space<hbm>>) target(%arg7 : memref<82x256xi32, #tpu.memory_space<vmem>>) target_semaphore(%run_scoped3A : memref<!tpu.dma_semaphore, #tpu.memory_space<semaphore_mem>>)
      %dma_wait3A = arith.constant 0 : i32
      %dma_wait3A_59 = arith.constant 0 : i32
      %dma_wait3A_60 = tpu.memref_slice %arg3[%arg1, %dma_wait3A, %dma_wait3A_59] : memref<16x82x256xi32, #tpu.memory_space<hbm>> -> memref<1x82x256xi32, #tpu.memory_space<hbm>>
      %dma_wait3A_61 = tpu.memref_squeeze %dma_wait3A_60 : memref<1x82x256xi32, #tpu.memory_space<hbm>> -> memref<82x256xi32, #tpu.memory_space<hbm>>
      %dma_wait3A_62 = arith.constant 0 : i32
      %dma_wait3A_63 = arith.constant 0 : i32
      %dma_wait3A_64 = tpu.memref_slice %arg3[%arg1, %dma_wait3A_62, %dma_wait3A_63] : memref<16x82x256xi32, #tpu.memory_space<hbm>> -> memref<1x82x256xi32, #tpu.memory_space<hbm>>
      %dma_wait3A_65 = tpu.memref_squeeze %dma_wait3A_64 : memref<1x82x256xi32, #tpu.memory_space<hbm>> -> memref<82x256xi32, #tpu.memory_space<hbm>>
      tpu.wait_dma2 semaphore(%run_scoped3A : memref<!tpu.dma_semaphore, #tpu.memory_space<semaphore_mem>>) src(%dma_wait3A_65 : memref<82x256xi32, #tpu.memory_space<hbm>>) dst(%arg7 : memref<82x256xi32, #tpu.memory_space<vmem>>)
      tpu.yield
    }) : () -> ()
    "tpu.region"() ({
      %run_scoped3A = tpu.sem_alloc : memref<!tpu.dma_semaphore, #tpu.memory_space<semaphore_mem>>
      %dma_start3A = arith.constant 0 : i32
      %dma_start3A_52 = arith.constant 0 : i32
      %dma_start3A_53 = tpu.memref_slice %arg4[%arg1, %dma_start3A, %dma_start3A_52] : memref<16x164x128xi32, #tpu.memory_space<hbm>> -> memref<1x164x128xi32, #tpu.memory_space<hbm>>
      %dma_start3A_54 = tpu.memref_squeeze %dma_start3A_53 : memref<1x164x128xi32, #tpu.memory_space<hbm>> -> memref<164x128xi32, #tpu.memory_space<hbm>>
      %dma_start3A_55 = arith.constant 0 : i32
      %dma_start3A_56 = arith.constant 0 : i32
      %dma_start3A_57 = tpu.memref_slice %arg4[%arg1, %dma_start3A_55, %dma_start3A_56] : memref<16x164x128xi32, #tpu.memory_space<hbm>> -> memref<1x164x128xi32, #tpu.memory_space<hbm>>
      %dma_start3A_58 = tpu.memref_squeeze %dma_start3A_57 : memref<1x164x128xi32, #tpu.memory_space<hbm>> -> memref<164x128xi32, #tpu.memory_space<hbm>>
      tpu.enqueue_dma source(%dma_start3A_58 : memref<164x128xi32, #tpu.memory_space<hbm>>) target(%arg8 : memref<164x128xi32, #tpu.memory_space<vmem>>) target_semaphore(%run_scoped3A : memref<!tpu.dma_semaphore, #tpu.memory_space<semaphore_mem>>)
      %dma_wait3A = arith.constant 0 : i32
      %dma_wait3A_59 = arith.constant 0 : i32
      %dma_wait3A_60 = tpu.memref_slice %arg4[%arg1, %dma_wait3A, %dma_wait3A_59] : memref<16x164x128xi32, #tpu.memory_space<hbm>> -> memref<1x164x128xi32, #tpu.memory_space<hbm>>
      %dma_wait3A_61 = tpu.memref_squeeze %dma_wait3A_60 : memref<1x164x128xi32, #tpu.memory_space<hbm>> -> memref<164x128xi32, #tpu.memory_space<hbm>>
      %dma_wait3A_62 = arith.constant 0 : i32
      %dma_wait3A_63 = arith.constant 0 : i32
      %dma_wait3A_64 = tpu.memref_slice %arg4[%arg1, %dma_wait3A_62, %dma_wait3A_63] : memref<16x164x128xi32, #tpu.memory_space<hbm>> -> memref<1x164x128xi32, #tpu.memory_space<hbm>>
      %dma_wait3A_65 = tpu.memref_squeeze %dma_wait3A_64 : memref<1x164x128xi32, #tpu.memory_space<hbm>> -> memref<164x128xi32, #tpu.memory_space<hbm>>
      tpu.wait_dma2 semaphore(%run_scoped3A : memref<!tpu.dma_semaphore, #tpu.memory_space<semaphore_mem>>) src(%dma_wait3A_65 : memref<164x128xi32, #tpu.memory_space<hbm>>) dst(%arg8 : memref<164x128xi32, #tpu.memory_space<vmem>>)
      tpu.yield
    }) : () -> ()
    %scan3A = arith.constant 0 : i32
    %scan3A_1 = arith.constant 82 : i32
    %scan3A_2 = arith.addi %scan3A, %scan3A_1 : i32
    %scan3A_3 = arith.constant 1 : i32
    scf.for %scan3A_52 = %scan3A to %scan3A_2 step %scan3A_3  : i32 {
      %mul3A_53 = arith.constant 1 : i32
      %mul3A_54 = arith.muli %scan3A_52, %mul3A_53 : i32
      %add3A = arith.constant 0 : i32
      %add3A_55 = arith.addi %add3A, %mul3A_54 : i32
      %get3A = arith.index_cast %add3A_55 : i32 to index
      %get3A_56 = arith.constant 0 : index
      %get3A_57 = tpu.vector_load %arg7[%get3A, %get3A_56] {strides = array<i32>} : memref<82x256xi32, #tpu.memory_space<vmem>>, vector<16xi32>,
      %add3A_58 = vector.broadcast %mul3A_0 : i32 to vector<16xi32>
      %add3A_59 = arith.addi %get3A_57, %add3A_58 : vector<16xi32>
      %swap3A = arith.index_cast %add3A_55 : i32 to index
      %swap3A_60 = arith.constant 0 : index
      %swap3A_61 = tpu.vector_load %arg7[%swap3A, %swap3A_60] {strides = array<i32>} : memref<82x256xi32, #tpu.memory_space<vmem>>, vector<16xi32>,
      tpu.vector_store %arg7[%swap3A, %swap3A_60], %add3A_59 {strides = array<i32>} : memref<82x256xi32, #tpu.memory_space<vmem>>, vector<16xi32>,
      %get3A_62 = arith.index_cast %add3A_55 : i32 to index
      %get3A_63 = arith.constant 16 : index
      %get3A_64 = tpu.vector_load %arg7[%get3A_62, %get3A_63] {strides = array<i32>} : memref<82x256xi32, #tpu.memory_space<vmem>>, vector<16xi32>,
      %add3A_65 = vector.broadcast %mul3A_0 : i32 to vector<16xi32>
      %add3A_66 = arith.addi %get3A_64, %add3A_65 : vector<16xi32>
      %swap3A_67 = arith.index_cast %add3A_55 : i32 to index
      %swap3A_68 = arith.constant 16 : index
      %swap3A_69 = tpu.vector_load %arg7[%swap3A_67, %swap3A_68] {strides = array<i32>} : memref<82x256xi32, #tpu.memory_space<vmem>>, vector<16xi32>,
      tpu.vector_store %arg7[%swap3A_67, %swap3A_68], %add3A_66 {strides = array<i32>} : memref<82x256xi32, #tpu.memory_space<vmem>>, vector<16xi32>,
      %get3A_70 = arith.index_cast %add3A_55 : i32 to index
      %get3A_71 = arith.constant 32 : index
      %get3A_72 = tpu.vector_load %arg7[%get3A_70, %get3A_71] {strides = array<i32>} : memref<82x256xi32, #tpu.memory_space<vmem>>, vector<16xi32>,
      %add3A_73 = vector.broadcast %mul3A_0 : i32 to vector<16xi32>
      %add3A_74 = arith.addi %get3A_72, %add3A_73 : vector<16xi32>
      %swap3A_75 = arith.index_cast %add3A_55 : i32 to index
      %swap3A_76 = arith.constant 32 : index
      %swap3A_77 = tpu.vector_load %arg7[%swap3A_75, %swap3A_76] {strides = array<i32>} : memref<82x256xi32, #tpu.memory_space<vmem>>, vector<16xi32>,
      tpu.vector_store %arg7[%swap3A_75, %swap3A_76], %add3A_74 {strides = array<i32>} : memref<82x256xi32, #tpu.memory_space<vmem>>, vector<16xi32>,
      %get3A_78 = arith.index_cast %add3A_55 : i32 to index
      %get3A_79 = arith.constant 48 : index
      %get3A_80 = tpu.vector_load %arg7[%get3A_78, %get3A_79] {strides = array<i32>} : memref<82x256xi32, #tpu.memory_space<vmem>>, vector<16xi32>,
      %add3A_81 = vector.broadcast %mul3A_0 : i32 to vector<16xi32>
      %add3A_82 = arith.addi %get3A_80, %add3A_81 : vector<16xi32>
      %swap3A_83 = arith.index_cast %add3A_55 : i32 to index
      %swap3A_84 = arith.constant 48 : index
      %swap3A_85 = tpu.vector_load %arg7[%swap3A_83, %swap3A_84] {strides = array<i32>} : memref<82x256xi32, #tpu.memory_space<vmem>>, vector<16xi32>,
      tpu.vector_store %arg7[%swap3A_83, %swap3A_84], %add3A_82 {strides = array<i32>} : memref<82x256xi32, #tpu.memory_space<vmem>>, vector<16xi32>,
      %get3A_86 = arith.index_cast %add3A_55 : i32 to index
      %get3A_87 = arith.constant 64 : index
      %get3A_88 = tpu.vector_load %arg7[%get3A_86, %get3A_87] {strides = array<i32>} : memref<82x256xi32, #tpu.memory_space<vmem>>, vector<16xi32>,
      %add3A_89 = vector.broadcast %mul3A_0 : i32 to vector<16xi32>
      %add3A_90 = arith.addi %get3A_88, %add3A_89 : vector<16xi32>
      %swap3A_91 = arith.index_cast %add3A_55 : i32 to index
      %swap3A_92 = arith.constant 64 : index
      %swap3A_93 = tpu.vector_load %arg7[%swap3A_91, %swap3A_92] {strides = array<i32>} : memref<82x256xi32, #tpu.memory_space<vmem>>, vector<16xi32>,
      tpu.vector_store %arg7[%swap3A_91, %swap3A_92], %add3A_90 {strides = array<i32>} : memref<82x256xi32, #tpu.memory_space<vmem>>, vector<16xi32>,
      %get3A_94 = arith.index_cast %add3A_55 : i32 to index
      %get3A_95 = arith.constant 80 : index
      %get3A_96 = tpu.vector_load %arg7[%get3A_94, %get3A_95] {strides = array<i32>} : memref<82x256xi32, #tpu.memory_space<vmem>>, vector<16xi32>,
      %add3A_97 = vector.broadcast %mul3A_0 : i32 to vector<16xi32>
      %add3A_98 = arith.addi %get3A_96, %add3A_97 : vector<16xi32>
      %swap3A_99 = arith.index_cast %add3A_55 : i32 to index
      %swap3A_100 = arith.constant 80 : index
      %swap3A_101 = tpu.vector_load %arg7[%swap3A_99, %swap3A_100] {strides = array<i32>} : memref<82x256xi32, #tpu.memory_space<vmem>>, vector<16xi32>,
      tpu.vector_store %arg7[%swap3A_99, %swap3A_100], %add3A_98 {strides = array<i32>} : memref<82x256xi32, #tpu.memory_space<vmem>>, vector<16xi32>,
      %get3A_102 = arith.index_cast %add3A_55 : i32 to index
      %get3A_103 = arith.constant 96 : index
      %get3A_104 = tpu.vector_load %arg7[%get3A_102, %get3A_103] {strides = array<i32>} : memref<82x256xi32, #tpu.memory_space<vmem>>, vector<16xi32>,
      %add3A_105 = vector.broadcast %mul3A_0 : i32 to vector<16xi32>
      %add3A_106 = arith.addi %get3A_104, %add3A_105 : vector<16xi32>
      %swap3A_107 = arith.index_cast %add3A_55 : i32 to index
      %swap3A_108 = arith.constant 96 : index
      %swap3A_109 = tpu.vector_load %arg7[%swap3A_107, %swap3A_108] {strides = array<i32>} : memref<82x256xi32, #tpu.memory_space<vmem>>, vector<16xi32>,
      tpu.vector_store %arg7[%swap3A_107, %swap3A_108], %add3A_106 {strides = array<i32>} : memref<82x256xi32, #tpu.memory_space<vmem>>, vector<16xi32>,
      %get3A_110 = arith.index_cast %add3A_55 : i32 to index
      %get3A_111 = arith.constant 112 : index
      %get3A_112 = tpu.vector_load %arg7[%get3A_110, %get3A_111] {strides = array<i32>} : memref<82x256xi32, #tpu.memory_space<vmem>>, vector<16xi32>,
      %add3A_113 = vector.broadcast %mul3A_0 : i32 to vector<16xi32>
      %add3A_114 = arith.addi %get3A_112, %add3A_113 : vector<16xi32>
      %swap3A_115 = arith.index_cast %add3A_55 : i32 to index
      %swap3A_116 = arith.constant 112 : index
      %swap3A_117 = tpu.vector_load %arg7[%swap3A_115, %swap3A_116] {strides = array<i32>} : memref<82x256xi32, #tpu.memory_space<vmem>>, vector<16xi32>,
      tpu.vector_store %arg7[%swap3A_115, %swap3A_116], %add3A_114 {strides = array<i32>} : memref<82x256xi32, #tpu.memory_space<vmem>>, vector<16xi32>,
      %get3A_118 = arith.index_cast %add3A_55 : i32 to index
      %get3A_119 = arith.constant 128 : index
      %get3A_120 = tpu.vector_load %arg7[%get3A_118, %get3A_119] {strides = array<i32>} : memref<82x256xi32, #tpu.memory_space<vmem>>, vector<16xi32>,
      %add3A_121 = vector.broadcast %mul3A_0 : i32 to vector<16xi32>
      %add3A_122 = arith.addi %get3A_120, %add3A_121 : vector<16xi32>
      %swap3A_123 = arith.index_cast %add3A_55 : i32 to index
      %swap3A_124 = arith.constant 128 : index
      %swap3A_125 = tpu.vector_load %arg7[%swap3A_123, %swap3A_124] {strides = array<i32>} : memref<82x256xi32, #tpu.memory_space<vmem>>, vector<16xi32>,
      tpu.vector_store %arg7[%swap3A_123, %swap3A_124], %add3A_122 {strides = array<i32>} : memref<82x256xi32, #tpu.memory_space<vmem>>, vector<16xi32>,
      %get3A_126 = arith.index_cast %add3A_55 : i32 to index
      %get3A_127 = arith.constant 144 : index
      %get3A_128 = tpu.vector_load %arg7[%get3A_126, %get3A_127] {strides = array<i32>} : memref<82x256xi32, #tpu.memory_space<vmem>>, vector<16xi32>,
      %add3A_129 = vector.broadcast %mul3A_0 : i32 to vector<16xi32>
      %add3A_130 = arith.addi %get3A_128, %add3A_129 : vector<16xi32>
      %swap3A_131 = arith.index_cast %add3A_55 : i32 to index
      %swap3A_132 = arith.constant 144 : index
      %swap3A_133 = tpu.vector_load %arg7[%swap3A_131, %swap3A_132] {strides = array<i32>} : memref<82x256xi32, #tpu.memory_space<vmem>>, vector<16xi32>,
      tpu.vector_store %arg7[%swap3A_131, %swap3A_132], %add3A_130 {strides = array<i32>} : memref<82x256xi32, #tpu.memory_space<vmem>>, vector<16xi32>,
      %get3A_134 = arith.index_cast %add3A_55 : i32 to index
      %get3A_135 = arith.constant 160 : index
      %get3A_136 = tpu.vector_load %arg7[%get3A_134, %get3A_135] {strides = array<i32>} : memref<82x256xi32, #tpu.memory_space<vmem>>, vector<16xi32>,
      %add3A_137 = vector.broadcast %mul3A_0 : i32 to vector<16xi32>
      %add3A_138 = arith.addi %get3A_136, %add3A_137 : vector<16xi32>
      %swap3A_139 = arith.index_cast %add3A_55 : i32 to index
      %swap3A_140 = arith.constant 160 : index
      %swap3A_141 = tpu.vector_load %arg7[%swap3A_139, %swap3A_140] {strides = array<i32>} : memref<82x256xi32, #tpu.memory_space<vmem>>, vector<16xi32>,
      tpu.vector_store %arg7[%swap3A_139, %swap3A_140], %add3A_138 {strides = array<i32>} : memref<82x256xi32, #tpu.memory_space<vmem>>, vector<16xi32>,
      %get3A_142 = arith.index_cast %add3A_55 : i32 to index
      %get3A_143 = arith.constant 176 : index
      %get3A_144 = tpu.vector_load %arg7[%get3A_142, %get3A_143] {strides = array<i32>} : memref<82x256xi32, #tpu.memory_space<vmem>>, vector<16xi32>,
      %add3A_145 = vector.broadcast %mul3A_0 : i32 to vector<16xi32>
      %add3A_146 = arith.addi %get3A_144, %add3A_145 : vector<16xi32>
      %swap3A_147 = arith.index_cast %add3A_55 : i32 to index
      %swap3A_148 = arith.constant 176 : index
      %swap3A_149 = tpu.vector_load %arg7[%swap3A_147, %swap3A_148] {strides = array<i32>} : memref<82x256xi32, #tpu.memory_space<vmem>>, vector<16xi32>,
      tpu.vector_store %arg7[%swap3A_147, %swap3A_148], %add3A_146 {strides = array<i32>} : memref<82x256xi32, #tpu.memory_space<vmem>>, vector<16xi32>,
      %get3A_150 = arith.index_cast %add3A_55 : i32 to index
      %get3A_151 = arith.constant 192 : index
      %get3A_152 = tpu.vector_load %arg7[%get3A_150, %get3A_151] {strides = array<i32>} : memref<82x256xi32, #tpu.memory_space<vmem>>, vector<16xi32>,
      %add3A_153 = vector.broadcast %mul3A_0 : i32 to vector<16xi32>
      %add3A_154 = arith.addi %get3A_152, %add3A_153 : vector<16xi32>
      %swap3A_155 = arith.index_cast %add3A_55 : i32 to index
      %swap3A_156 = arith.constant 192 : index
      %swap3A_157 = tpu.vector_load %arg7[%swap3A_155, %swap3A_156] {strides = array<i32>} : memref<82x256xi32, #tpu.memory_space<vmem>>, vector<16xi32>,
      tpu.vector_store %arg7[%swap3A_155, %swap3A_156], %add3A_154 {strides = array<i32>} : memref<82x256xi32, #tpu.memory_space<vmem>>, vector<16xi32>,
      %get3A_158 = arith.index_cast %add3A_55 : i32 to index
      %get3A_159 = arith.constant 208 : index
      %get3A_160 = tpu.vector_load %arg7[%get3A_158, %get3A_159] {strides = array<i32>} : memref<82x256xi32, #tpu.memory_space<vmem>>, vector<16xi32>,
      %add3A_161 = vector.broadcast %mul3A_0 : i32 to vector<16xi32>
      %add3A_162 = arith.addi %get3A_160, %add3A_161 : vector<16xi32>
      %swap3A_163 = arith.index_cast %add3A_55 : i32 to index
      %swap3A_164 = arith.constant 208 : index
      %swap3A_165 = tpu.vector_load %arg7[%swap3A_163, %swap3A_164] {strides = array<i32>} : memref<82x256xi32, #tpu.memory_space<vmem>>, vector<16xi32>,
      tpu.vector_store %arg7[%swap3A_163, %swap3A_164], %add3A_162 {strides = array<i32>} : memref<82x256xi32, #tpu.memory_space<vmem>>, vector<16xi32>,
      %get3A_166 = arith.index_cast %add3A_55 : i32 to index
      %get3A_167 = arith.constant 224 : index
      %get3A_168 = tpu.vector_load %arg7[%get3A_166, %get3A_167] {strides = array<i32>} : memref<82x256xi32, #tpu.memory_space<vmem>>, vector<16xi32>,
      %add3A_169 = vector.broadcast %mul3A_0 : i32 to vector<16xi32>
      %add3A_170 = arith.addi %get3A_168, %add3A_169 : vector<16xi32>
      %swap3A_171 = arith.index_cast %add3A_55 : i32 to index
      %swap3A_172 = arith.constant 224 : index
      %swap3A_173 = tpu.vector_load %arg7[%swap3A_171, %swap3A_172] {strides = array<i32>} : memref<82x256xi32, #tpu.memory_space<vmem>>, vector<16xi32>,
      tpu.vector_store %arg7[%swap3A_171, %swap3A_172], %add3A_170 {strides = array<i32>} : memref<82x256xi32, #tpu.memory_space<vmem>>, vector<16xi32>,
      %get3A_174 = arith.index_cast %add3A_55 : i32 to index
      %get3A_175 = arith.constant 240 : index
      %get3A_176 = tpu.vector_load %arg7[%get3A_174, %get3A_175] {strides = array<i32>} : memref<82x256xi32, #tpu.memory_space<vmem>>, vector<16xi32>,
      %add3A_177 = vector.broadcast %mul3A_0 : i32 to vector<16xi32>
      %add3A_178 = arith.addi %get3A_176, %add3A_177 : vector<16xi32>
      %swap3A_179 = arith.index_cast %add3A_55 : i32 to index
      %swap3A_180 = arith.constant 240 : index
      %swap3A_181 = tpu.vector_load %arg7[%swap3A_179, %swap3A_180] {strides = array<i32>} : memref<82x256xi32, #tpu.memory_space<vmem>>, vector<16xi32>,
      tpu.vector_store %arg7[%swap3A_179, %swap3A_180], %add3A_178 {strides = array<i32>} : memref<82x256xi32, #tpu.memory_space<vmem>>, vector<16xi32>,
    }
    %scan3A_4 = arith.constant 82 : i32
    %broadcast_in_dim3A = arith.constant 0.000000e+00 : f32
    %broadcast_in_dim3A_5 = vector.broadcast %broadcast_in_dim3A : f32 to vector<16xf32>
    %iota3A = tpu.iota {dimensions = array<i32: 0>} : vector<16xi32>
    %eq3A = arith.constant 0 : i32
    %eq3A_6 = vector.broadcast %eq3A : i32 to vector<16xi32>
    %eq3A_7 = arith.cmpi eq, %iota3A, %eq3A_6 : vector<16xi32>
    %jit3A = arith.constant 1.000000e+00 : f32
    %jit3A_8 = arith.constant 0.000000e+00 : f32
    %broadcast_in_dim3A_9 = vector.broadcast %jit3A : f32 to vector<16xf32>
    %broadcast_in_dim3A_10 = vector.broadcast %jit3A_8 : f32 to vector<16xf32>
    %select_n3A = arith.select %eq3A_7, %broadcast_in_dim3A_9, %broadcast_in_dim3A_10 : vector<16xi1>, vector<16xf32>
    %scan3A_11 = arith.constant 0 : i32
    %scan3A_12 = arith.constant 256 : i32
    %scan3A_13 = arith.addi %scan3A_11, %scan3A_12 : i32
    %scan3A_14 = arith.constant 1 : i32
    scf.for %scan3A_52 = %scan3A_11 to %scan3A_13 step %scan3A_14  : i32 {
      %mul3A_53 = arith.constant 1 : i32
      %mul3A_54 = arith.muli %scan3A_52, %mul3A_53 : i32
      %add3A = arith.constant 0 : i32
      %add3A_55 = arith.addi %add3A, %mul3A_54 : i32
      %swap3A = arith.index_cast %add3A_55 : i32 to index
      %swap3A_56 = arith.constant 0 : index
      %swap3A_57 = tpu.vector_load %arg9[%swap3A, %swap3A_56] {strides = array<i32>} : memref<256x64xf32, #tpu.memory_space<vmem>>, vector<16xf32>,
      tpu.vector_store %arg9[%swap3A, %swap3A_56], %broadcast_in_dim3A_5 {strides = array<i32>} : memref<256x64xf32, #tpu.memory_space<vmem>>, vector<16xf32>,
      %swap3A_58 = arith.index_cast %add3A_55 : i32 to index
      %swap3A_59 = arith.constant 0 : index
      %swap3A_60 = tpu.vector_load %arg10[%swap3A_58, %swap3A_59] {strides = array<i32>} : memref<256x64xf32, #tpu.memory_space<vmem>>, vector<16xf32>,
      tpu.vector_store %arg10[%swap3A_58, %swap3A_59], %select_n3A {strides = array<i32>} : memref<256x64xf32, #tpu.memory_space<vmem>>, vector<16xf32>,
      %swap3A_61 = arith.index_cast %add3A_55 : i32 to index
      %swap3A_62 = arith.constant 16 : index
      %swap3A_63 = tpu.vector_load %arg9[%swap3A_61, %swap3A_62] {strides = array<i32>} : memref<256x64xf32, #tpu.memory_space<vmem>>, vector<16xf32>,
      tpu.vector_store %arg9[%swap3A_61, %swap3A_62], %broadcast_in_dim3A_5 {strides = array<i32>} : memref<256x64xf32, #tpu.memory_space<vmem>>, vector<16xf32>,
      %swap3A_64 = arith.index_cast %add3A_55 : i32 to index
      %swap3A_65 = arith.constant 16 : index
      %swap3A_66 = tpu.vector_load %arg10[%swap3A_64, %swap3A_65] {strides = array<i32>} : memref<256x64xf32, #tpu.memory_space<vmem>>, vector<16xf32>,
      tpu.vector_store %arg10[%swap3A_64, %swap3A_65], %broadcast_in_dim3A_5 {strides = array<i32>} : memref<256x64xf32, #tpu.memory_space<vmem>>, vector<16xf32>,
      %swap3A_67 = arith.index_cast %add3A_55 : i32 to index
      %swap3A_68 = arith.constant 32 : index
      %swap3A_69 = tpu.vector_load %arg9[%swap3A_67, %swap3A_68] {strides = array<i32>} : memref<256x64xf32, #tpu.memory_space<vmem>>, vector<16xf32>,
      tpu.vector_store %arg9[%swap3A_67, %swap3A_68], %broadcast_in_dim3A_5 {strides = array<i32>} : memref<256x64xf32, #tpu.memory_space<vmem>>, vector<16xf32>,
      %swap3A_70 = arith.index_cast %add3A_55 : i32 to index
      %swap3A_71 = arith.constant 32 : index
      %swap3A_72 = tpu.vector_load %arg10[%swap3A_70, %swap3A_71] {strides = array<i32>} : memref<256x64xf32, #tpu.memory_space<vmem>>, vector<16xf32>,
      tpu.vector_store %arg10[%swap3A_70, %swap3A_71], %broadcast_in_dim3A_5 {strides = array<i32>} : memref<256x64xf32, #tpu.memory_space<vmem>>, vector<16xf32>,
      %swap3A_73 = arith.index_cast %add3A_55 : i32 to index
      %swap3A_74 = arith.constant 48 : index
      %swap3A_75 = tpu.vector_load %arg9[%swap3A_73, %swap3A_74] {strides = array<i32>} : memref<256x64xf32, #tpu.memory_space<vmem>>, vector<16xf32>,
      tpu.vector_store %arg9[%swap3A_73, %swap3A_74], %broadcast_in_dim3A_5 {strides = array<i32>} : memref<256x64xf32, #tpu.memory_space<vmem>>, vector<16xf32>,
      %swap3A_76 = arith.index_cast %add3A_55 : i32 to index
      %swap3A_77 = arith.constant 48 : index
      %swap3A_78 = tpu.vector_load %arg10[%swap3A_76, %swap3A_77] {strides = array<i32>} : memref<256x64xf32, #tpu.memory_space<vmem>>, vector<16xf32>,
      tpu.vector_store %arg10[%swap3A_76, %swap3A_77], %broadcast_in_dim3A_5 {strides = array<i32>} : memref<256x64xf32, #tpu.memory_space<vmem>>, vector<16xf32>,
    }
    %scan3A_15 = arith.constant 256 : i32
    %scan3A_16 = arith.constant 0 : i32
    %scan3A_17 = arith.constant 5 : i32
    %scan3A_18 = arith.addi %scan3A_16, %scan3A_17 : i32
    %scan3A_19 = arith.constant 1 : i32
    scf.for %scan3A_52 = %scan3A_16 to %scan3A_18 step %scan3A_19  : i32 {
      %mul3A_53 = arith.constant 1 : i32
      %mul3A_54 = arith.muli %scan3A_52, %mul3A_53 : i32
      %add3A = arith.constant 0 : i32
      %add3A_55 = arith.addi %add3A, %mul3A_54 : i32
      %mul3A_56 = arith.constant 640 : i32
      %mul3A_57 = arith.muli %arg1, %mul3A_56 : i32
      %mul3A_58 = arith.constant 128 : i32
      %mul3A_59 = arith.muli %add3A_55, %mul3A_58 : i32
      %add3A_60 = arith.addi %mul3A_57, %mul3A_59 : i32
      "tpu.region"() ({
        %run_scoped3A = tpu.sem_alloc : memref<!tpu.dma_semaphore, #tpu.memory_space<semaphore_mem>>
        %dma_start3A = arith.constant 0 : i32
        %dma_start3A_61 = arith.constant 0 : i32
        %dma_start3A_62 = tpu.memref_slice %arg9[%dma_start3A, %dma_start3A_61] : memref<256x64xf32, #tpu.memory_space<vmem>> -> memref<128x64xf32, #tpu.memory_space<vmem>>
        %dma_start3A_63 = arith.constant 0 : i32
        %dma_start3A_64 = tpu.memref_slice %arg13[%add3A_60, %dma_start3A_63] : memref<10240x64xf32, #tpu.memory_space<vmem_shared>> -> memref<128x64xf32, #tpu.memory_space<vmem_shared>>
        %dma_start3A_65 = arith.constant 0 : i32
        %dma_start3A_66 = tpu.memref_slice %arg13[%add3A_60, %dma_start3A_65] : memref<10240x64xf32, #tpu.memory_space<vmem_shared>> -> memref<128x64xf32, #tpu.memory_space<vmem_shared>>
        %dma_start3A_67 = arith.constant 0 : i32
        %dma_start3A_68 = arith.constant 0 : i32
        %dma_start3A_69 = tpu.memref_slice %arg9[%dma_start3A_67, %dma_start3A_68] : memref<256x64xf32, #tpu.memory_space<vmem>> -> memref<128x64xf32, #tpu.memory_space<vmem>>
        tpu.enqueue_dma source(%dma_start3A_69 : memref<128x64xf32, #tpu.memory_space<vmem>>) target(%dma_start3A_66 : memref<128x64xf32, #tpu.memory_space<vmem_shared>>) target_semaphore(%run_scoped3A : memref<!tpu.dma_semaphore, #tpu.memory_space<semaphore_mem>>)
        %dma_wait3A = arith.constant 0 : i32
        %dma_wait3A_70 = arith.constant 0 : i32
        %dma_wait3A_71 = tpu.memref_slice %arg9[%dma_wait3A, %dma_wait3A_70] : memref<256x64xf32, #tpu.memory_space<vmem>> -> memref<128x64xf32, #tpu.memory_space<vmem>>
        %dma_wait3A_72 = arith.constant 0 : i32
        %dma_wait3A_73 = tpu.memref_slice %arg13[%add3A_60, %dma_wait3A_72] : memref<10240x64xf32, #tpu.memory_space<vmem_shared>> -> memref<128x64xf32, #tpu.memory_space<vmem_shared>>
        %dma_wait3A_74 = arith.constant 0 : i32
        %dma_wait3A_75 = tpu.memref_slice %arg13[%add3A_60, %dma_wait3A_74] : memref<10240x64xf32, #tpu.memory_space<vmem_shared>> -> memref<128x64xf32, #tpu.memory_space<vmem_shared>>
        %dma_wait3A_76 = arith.constant 0 : i32
        %dma_wait3A_77 = arith.constant 0 : i32
        %dma_wait3A_78 = tpu.memref_slice %arg9[%dma_wait3A_76, %dma_wait3A_77] : memref<256x64xf32, #tpu.memory_space<vmem>> -> memref<128x64xf32, #tpu.memory_space<vmem>>
        tpu.wait_dma2 semaphore(%run_scoped3A : memref<!tpu.dma_semaphore, #tpu.memory_space<semaphore_mem>>) src(%dma_wait3A_78 : memref<128x64xf32, #tpu.memory_space<vmem>>) dst(%dma_wait3A_75 : memref<128x64xf32, #tpu.memory_space<vmem_shared>>)
        tpu.yield
      }) : () -> ()
    }
    %scan3A_20 = arith.constant 5 : i32
    %barrier3A = arith.constant 0 : index
    tpu.barrier barrier_id(%barrier3A)
    %scan3A_21 = arith.constant 0 : i32
    %scan3A_22 = arith.constant 164 : i32
    %scan3A_23 = arith.addi %scan3A_21, %scan3A_22 : i32
    %scan3A_24 = arith.constant 1 : i32
    scf.for %scan3A_52 = %scan3A_21 to %scan3A_23 step %scan3A_24  : i32 {
      %mul3A_53 = arith.constant 1 : i32
      %mul3A_54 = arith.muli %scan3A_52, %mul3A_53 : i32
      %add3A = arith.constant 0 : i32
      %add3A_55 = arith.addi %add3A, %mul3A_54 : i32
      "tpu.region"() ({
        %run_scoped3A = tpu.sem_alloc : memref<!tpu.dma_semaphore, #tpu.memory_space<semaphore_mem>>
        %dma_start3A = arith.constant 0 : i32
        %dma_start3A_56 = arith.constant 0 : i32
        %dma_start3A_57 = tpu.memref_slice %arg10[%dma_start3A, %dma_start3A_56] : memref<256x64xf32, #tpu.memory_space<vmem>> -> memref<128x64xf32, #tpu.memory_space<vmem>>
        %dma_start3A_58 = arith.constant 0 : i32
        %dma_start3A_59 = tpu.memref_slice %arg8[%add3A_55, %dma_start3A_58] : memref<164x128xi32, #tpu.memory_space<vmem>> -> memref<1x128xi32, #tpu.memory_space<vmem>>
        %dma_start3A_60 = tpu.memref_squeeze %dma_start3A_59 : memref<1x128xi32, #tpu.memory_space<vmem>> -> memref<128xi32, #tpu.memory_space<vmem>>
        %dma_start3A_61 = arith.constant 0 : i32
        %dma_start3A_62 = arith.constant 0 : i32
        %dma_start3A_63 = tpu.memref_slice %arg13[%dma_start3A_61, %dma_start3A_62] : memref<10240x64xf32, #tpu.memory_space<vmem_shared>> -> memref<10240x64xf32, #tpu.memory_space<vmem_shared>>
        tpu.enqueue_indirect_dma source(%dma_start3A_57 : memref<128x64xf32, #tpu.memory_space<vmem>>) target(%dma_start3A_63 : memref<10240x64xf32, #tpu.memory_space<vmem_shared>>) offsets(%dma_start3A_60 : memref<128xi32, #tpu.memory_space<vmem>>) semaphore(%run_scoped3A : memref<!tpu.dma_semaphore, #tpu.memory_space<semaphore_mem>>) {add = true}
        %dma_wait3A = arith.constant 0 : i32
        %dma_wait3A_64 = arith.constant 0 : i32
        %dma_wait3A_65 = tpu.memref_slice %arg10[%dma_wait3A, %dma_wait3A_64] : memref<256x64xf32, #tpu.memory_space<vmem>> -> memref<128x64xf32, #tpu.memory_space<vmem>>
        %dma_wait3A_66 = arith.constant 0 : i32
        %dma_wait3A_67 = tpu.memref_slice %arg8[%add3A_55, %dma_wait3A_66] : memref<164x128xi32, #tpu.memory_space<vmem>> -> memref<1x128xi32, #tpu.memory_space<vmem>>
        %dma_wait3A_68 = tpu.memref_squeeze %dma_wait3A_67 : memref<1x128xi32, #tpu.memory_space<vmem>> -> memref<128xi32, #tpu.memory_space<vmem>>
        %dma_wait3A_69 = arith.constant 0 : i32
        %dma_wait3A_70 = arith.constant 0 : i32
        %dma_wait3A_71 = tpu.memref_slice %arg13[%dma_wait3A_69, %dma_wait3A_70] : memref<10240x64xf32, #tpu.memory_space<vmem_shared>> -> memref<10240x64xf32, #tpu.memory_space<vmem_shared>>
        tpu.wait_indirect_dma semaphore(%run_scoped3A : memref<!tpu.dma_semaphore, #tpu.memory_space<semaphore_mem>>) src(%dma_wait3A_65 : memref<128x64xf32, #tpu.memory_space<vmem>>) dst(%dma_wait3A_71 : memref<10240x64xf32, #tpu.memory_space<vmem_shared>>)
        tpu.yield
      }) : () -> ()
    }
    %scan3A_25 = arith.constant 164 : i32
    %barrier3A_26 = arith.constant 0 : index
    tpu.barrier barrier_id(%barrier3A_26)
    %iota3A_27 = tpu.iota {dimensions = array<i32: 0>} : vector<16xi32>
    %broadcast_in_dim3A_28 = arith.constant 0 : i32
    %broadcast_in_dim3A_29 = vector.broadcast %broadcast_in_dim3A_28 : i32 to vector<16xi32>
    %scan3A_30 = arith.constant 0 : i32
    %scan3A_31 = arith.constant 5 : i32
    %scan3A_32 = arith.addi %scan3A_30, %scan3A_31 : i32
    %scan3A_33 = arith.constant 1 : i32
    scf.for %scan3A_52 = %scan3A_30 to %scan3A_32 step %scan3A_33  : i32 {
      %mul3A_53 = arith.constant 1 : i32
      %mul3A_54 = arith.muli %scan3A_52, %mul3A_53 : i32
      %add3A = arith.constant 0 : i32
      %add3A_55 = arith.addi %add3A, %mul3A_54 : i32
      %mul3A_56 = arith.constant 625 : i32
      %mul3A_57 = arith.muli %arg1, %mul3A_56 : i32
      %mul3A_58 = arith.constant 128 : i32
      %mul3A_59 = arith.muli %add3A_55, %mul3A_58 : i32
      %add3A_60 = arith.addi %mul3A_57, %mul3A_59 : i32
      "tpu.region"() ({
        %run_scoped3A = tpu.sem_alloc : memref<!tpu.dma_semaphore, #tpu.memory_space<semaphore_mem>>
        %dma_start3A = arith.constant 0 : i32
        %dma_start3A_66 = arith.constant 0 : i32
        %dma_start3A_67 = tpu.memref_slice %arg10[%dma_start3A, %dma_start3A_66] : memref<256x64xf32, #tpu.memory_space<vmem>> -> memref<128x64xf32, #tpu.memory_space<vmem>>
        %dma_start3A_68 = arith.constant 0 : i32
        %dma_start3A_69 = tpu.memref_slice %arg13[%add3A_60, %dma_start3A_68] : memref<10240x64xf32, #tpu.memory_space<vmem_shared>> -> memref<128x64xf32, #tpu.memory_space<vmem_shared>>
        %dma_start3A_70 = arith.constant 0 : i32
        %dma_start3A_71 = arith.constant 0 : i32
        %dma_start3A_72 = tpu.memref_slice %arg10[%dma_start3A_70, %dma_start3A_71] : memref<256x64xf32, #tpu.memory_space<vmem>> -> memref<128x64xf32, #tpu.memory_space<vmem>>
        %dma_start3A_73 = arith.constant 0 : i32
        %dma_start3A_74 = tpu.memref_slice %arg13[%add3A_60, %dma_start3A_73] : memref<10240x64xf32, #tpu.memory_space<vmem_shared>> -> memref<128x64xf32, #tpu.memory_space<vmem_shared>>
        tpu.enqueue_dma source(%dma_start3A_74 : memref<128x64xf32, #tpu.memory_space<vmem_shared>>) target(%dma_start3A_72 : memref<128x64xf32, #tpu.memory_space<vmem>>) target_semaphore(%run_scoped3A : memref<!tpu.dma_semaphore, #tpu.memory_space<semaphore_mem>>)
        %dma_wait3A = arith.constant 0 : i32
        %dma_wait3A_75 = arith.constant 0 : i32
        %dma_wait3A_76 = tpu.memref_slice %arg10[%dma_wait3A, %dma_wait3A_75] : memref<256x64xf32, #tpu.memory_space<vmem>> -> memref<128x64xf32, #tpu.memory_space<vmem>>
        %dma_wait3A_77 = arith.constant 0 : i32
        %dma_wait3A_78 = tpu.memref_slice %arg13[%add3A_60, %dma_wait3A_77] : memref<10240x64xf32, #tpu.memory_space<vmem_shared>> -> memref<128x64xf32, #tpu.memory_space<vmem_shared>>
        %dma_wait3A_79 = arith.constant 0 : i32
        %dma_wait3A_80 = arith.constant 0 : i32
        %dma_wait3A_81 = tpu.memref_slice %arg10[%dma_wait3A_79, %dma_wait3A_80] : memref<256x64xf32, #tpu.memory_space<vmem>> -> memref<128x64xf32, #tpu.memory_space<vmem>>
        %dma_wait3A_82 = arith.constant 0 : i32
        %dma_wait3A_83 = tpu.memref_slice %arg13[%add3A_60, %dma_wait3A_82] : memref<10240x64xf32, #tpu.memory_space<vmem_shared>> -> memref<128x64xf32, #tpu.memory_space<vmem_shared>>
        tpu.wait_dma2 semaphore(%run_scoped3A : memref<!tpu.dma_semaphore, #tpu.memory_space<semaphore_mem>>) src(%dma_wait3A_83 : memref<128x64xf32, #tpu.memory_space<vmem_shared>>) dst(%dma_wait3A_81 : memref<128x64xf32, #tpu.memory_space<vmem>>)
        tpu.yield
      }) : () -> ()
      %scan3A_61 = arith.constant 0 : i32
      %scan3A_62 = arith.constant 8 : i32
      %scan3A_63 = arith.addi %scan3A_61, %scan3A_62 : i32
      %scan3A_64 = arith.constant 1 : i32
      scf.for %scan3A_66 = %scan3A_61 to %scan3A_63 step %scan3A_64  : i32 {
        %mul3A_67 = arith.constant 1 : i32
        %mul3A_68 = arith.muli %scan3A_66, %mul3A_67 : i32
        %add3A_69 = arith.constant 0 : i32
        %add3A_70 = arith.addi %add3A_69, %mul3A_68 : i32
        %mul3A_71 = arith.constant 16 : i32
        %mul3A_72 = arith.muli %add3A_70, %mul3A_71 : i32
        %add3A_73 = vector.broadcast %mul3A_72 : i32 to vector<16xi32>
        %add3A_74 = arith.addi %add3A_73, %iota3A_27 : vector<16xi32>
        %gather3A = tpu.vector_load_idx %arg10[%add3A_74, %broadcast_in_dim3A_29] : memref<256x64xf32, #tpu.memory_space<vmem>>[vector<16xi32>, vector<16xi32>], vector<16xf32>,
        %bitcast3A = vector.bitcast %gather3A : vector<16xf32> to vector<16xi32>
        %shift_right_arithmetic3A = arith.constant 1 : i32
        %shift_right_arithmetic3A_75 = vector.broadcast %shift_right_arithmetic3A : i32 to vector<16xi32>
        %shift_right_arithmetic3A_76 = arith.shrsi %bitcast3A, %shift_right_arithmetic3A_75 : vector<16xi32>
        %sub3A = arith.constant 1597463007 : i32
        %sub3A_77 = vector.broadcast %sub3A : i32 to vector<16xi32>
        %sub3A_78 = arith.subi %sub3A_77, %shift_right_arithmetic3A_76 : vector<16xi32>
        %bitcast3A_79 = vector.bitcast %sub3A_78 : vector<16xi32> to vector<16xf32>
        %mul3A_80 = arith.constant 5.000000e-01 : f32
        %mul3A_81 = vector.broadcast %mul3A_80 : f32 to vector<16xf32>
        %mul3A_82 = arith.mulf %mul3A_81, %gather3A : vector<16xf32>
        %mul3A_83 = arith.mulf %mul3A_82, %bitcast3A_79 : vector<16xf32>
        %mul3A_84 = arith.mulf %mul3A_83, %bitcast3A_79 : vector<16xf32>
        %sub3A_85 = arith.constant 1.500000e+00 : f32
        %sub3A_86 = vector.broadcast %sub3A_85 : f32 to vector<16xf32>
        %sub3A_87 = arith.subf %sub3A_86, %mul3A_84 : vector<16xf32>
        %mul3A_88 = arith.mulf %bitcast3A_79, %sub3A_87 : vector<16xf32>
        %mul3A_89 = arith.constant 5.000000e-01 : f32
        %mul3A_90 = vector.broadcast %mul3A_89 : f32 to vector<16xf32>
        %mul3A_91 = arith.mulf %mul3A_90, %gather3A : vector<16xf32>
        %mul3A_92 = arith.mulf %mul3A_91, %mul3A_88 : vector<16xf32>
        %mul3A_93 = arith.mulf %mul3A_92, %mul3A_88 : vector<16xf32>
        %sub3A_94 = arith.constant 1.500000e+00 : f32
        %sub3A_95 = vector.broadcast %sub3A_94 : f32 to vector<16xf32>
        %sub3A_96 = arith.subf %sub3A_95, %mul3A_93 : vector<16xf32>
        %mul3A_97 = arith.mulf %mul3A_88, %sub3A_96 : vector<16xf32>
        %mul3A_98 = arith.constant 5.000000e-01 : f32
        %mul3A_99 = vector.broadcast %mul3A_98 : f32 to vector<16xf32>
        %mul3A_100 = arith.mulf %mul3A_99, %gather3A : vector<16xf32>
        %mul3A_101 = arith.mulf %mul3A_100, %mul3A_97 : vector<16xf32>
        %mul3A_102 = arith.mulf %mul3A_101, %mul3A_97 : vector<16xf32>
        %sub3A_103 = arith.constant 1.500000e+00 : f32
        %sub3A_104 = vector.broadcast %sub3A_103 : f32 to vector<16xf32>
        %sub3A_105 = arith.subf %sub3A_104, %mul3A_102 : vector<16xf32>
        %mul3A_106 = arith.mulf %mul3A_97, %sub3A_105 : vector<16xf32>
        %mul3A_107 = arith.constant 128 : i32
        %mul3A_108 = arith.muli %add3A_55, %mul3A_107 : i32
        %mul3A_109 = arith.constant 16 : i32
        %mul3A_110 = arith.muli %add3A_70, %mul3A_109 : i32
        %add3A_111 = arith.addi %mul3A_108, %mul3A_110 : i32
        %swap3A = arith.index_cast %add3A_111 : i32 to index
        %swap3A_112 = tpu.vector_load %arg11[%swap3A] {strides = array<i32>} : memref<640xf32, #tpu.memory_space<vmem>>, vector<16xf32>,
        tpu.vector_store %arg11[%swap3A], %mul3A_106 {strides = array<i32>} : memref<640xf32, #tpu.memory_space<vmem>>, vector<16xf32>,
      }
      %scan3A_65 = arith.constant 8 : i32
    }
    %scan3A_34 = arith.constant 5 : i32
    %barrier3A_35 = arith.constant 0 : index
    tpu.barrier barrier_id(%barrier3A_35)
    %scan3A_36 = arith.constant 0 : i32
    %scan3A_37 = arith.constant 5 : i32
    %scan3A_38 = arith.addi %scan3A_36, %scan3A_37 : i32
    %scan3A_39 = arith.constant 1 : i32
    scf.for %scan3A_52 = %scan3A_36 to %scan3A_38 step %scan3A_39  : i32 {
      %mul3A_53 = arith.constant 1 : i32
      %mul3A_54 = arith.muli %scan3A_52, %mul3A_53 : i32
      %add3A = arith.constant 0 : i32
      %add3A_55 = arith.addi %add3A, %mul3A_54 : i32
      %mul3A_56 = arith.constant 640 : i32
      %mul3A_57 = arith.muli %arg1, %mul3A_56 : i32
      %mul3A_58 = arith.constant 128 : i32
      %mul3A_59 = arith.muli %add3A_55, %mul3A_58 : i32
      %add3A_60 = arith.addi %mul3A_57, %mul3A_59 : i32
      "tpu.region"() ({
        %run_scoped3A = tpu.sem_alloc : memref<!tpu.dma_semaphore, #tpu.memory_space<semaphore_mem>>
        %dma_start3A = arith.constant 0 : i32
        %dma_start3A_61 = arith.constant 0 : i32
        %dma_start3A_62 = tpu.memref_slice %arg9[%dma_start3A, %dma_start3A_61] : memref<256x64xf32, #tpu.memory_space<vmem>> -> memref<128x64xf32, #tpu.memory_space<vmem>>
        %dma_start3A_63 = arith.constant 0 : i32
        %dma_start3A_64 = tpu.memref_slice %arg13[%add3A_60, %dma_start3A_63] : memref<10240x64xf32, #tpu.memory_space<vmem_shared>> -> memref<128x64xf32, #tpu.memory_space<vmem_shared>>
        %dma_start3A_65 = arith.constant 0 : i32
        %dma_start3A_66 = tpu.memref_slice %arg13[%add3A_60, %dma_start3A_65] : memref<10240x64xf32, #tpu.memory_space<vmem_shared>> -> memref<128x64xf32, #tpu.memory_space<vmem_shared>>
        %dma_start3A_67 = arith.constant 0 : i32
        %dma_start3A_68 = arith.constant 0 : i32
        %dma_start3A_69 = tpu.memref_slice %arg9[%dma_start3A_67, %dma_start3A_68] : memref<256x64xf32, #tpu.memory_space<vmem>> -> memref<128x64xf32, #tpu.memory_space<vmem>>
        tpu.enqueue_dma source(%dma_start3A_69 : memref<128x64xf32, #tpu.memory_space<vmem>>) target(%dma_start3A_66 : memref<128x64xf32, #tpu.memory_space<vmem_shared>>) target_semaphore(%run_scoped3A : memref<!tpu.dma_semaphore, #tpu.memory_space<semaphore_mem>>)
        %dma_wait3A = arith.constant 0 : i32
        %dma_wait3A_70 = arith.constant 0 : i32
        %dma_wait3A_71 = tpu.memref_slice %arg9[%dma_wait3A, %dma_wait3A_70] : memref<256x64xf32, #tpu.memory_space<vmem>> -> memref<128x64xf32, #tpu.memory_space<vmem>>
        %dma_wait3A_72 = arith.constant 0 : i32
        %dma_wait3A_73 = tpu.memref_slice %arg13[%add3A_60, %dma_wait3A_72] : memref<10240x64xf32, #tpu.memory_space<vmem_shared>> -> memref<128x64xf32, #tpu.memory_space<vmem_shared>>
        %dma_wait3A_74 = arith.constant 0 : i32
        %dma_wait3A_75 = tpu.memref_slice %arg13[%add3A_60, %dma_wait3A_74] : memref<10240x64xf32, #tpu.memory_space<vmem_shared>> -> memref<128x64xf32, #tpu.memory_space<vmem_shared>>
        %dma_wait3A_76 = arith.constant 0 : i32
        %dma_wait3A_77 = arith.constant 0 : i32
        %dma_wait3A_78 = tpu.memref_slice %arg9[%dma_wait3A_76, %dma_wait3A_77] : memref<256x64xf32, #tpu.memory_space<vmem>> -> memref<128x64xf32, #tpu.memory_space<vmem>>
        tpu.wait_dma2 semaphore(%run_scoped3A : memref<!tpu.dma_semaphore, #tpu.memory_space<semaphore_mem>>) src(%dma_wait3A_78 : memref<128x64xf32, #tpu.memory_space<vmem>>) dst(%dma_wait3A_75 : memref<128x64xf32, #tpu.memory_space<vmem_shared>>)
        tpu.yield
      }) : () -> ()
    }
    %scan3A_40 = arith.constant 5 : i32
    %scan3A_41 = arith.constant 0 : i32
    %scan3A_42 = arith.constant 5 : i32
    %scan3A_43 = arith.addi %scan3A_41, %scan3A_42 : i32
    %scan3A_44 = arith.constant 1 : i32
    scf.for %scan3A_52 = %scan3A_41 to %scan3A_43 step %scan3A_44  : i32 {
      %mul3A_53 = arith.constant 1 : i32
      %mul3A_54 = arith.muli %scan3A_52, %mul3A_53 : i32
      %add3A = arith.constant 0 : i32
      %add3A_55 = arith.addi %add3A, %mul3A_54 : i32
      %mul3A_56 = arith.constant 625 : i32
      %mul3A_57 = arith.muli %arg1, %mul3A_56 : i32
      %mul3A_58 = arith.constant 125 : i32
      %mul3A_59 = arith.muli %add3A_55, %mul3A_58 : i32
      %add3A_60 = arith.addi %mul3A_57, %mul3A_59 : i32
      %add3A_61 = arith.addi %mul3A_0, %add3A_60 : i32
      "tpu.region"() ({
        %run_scoped3A = tpu.sem_alloc : memref<!tpu.dma_semaphore, #tpu.memory_space<semaphore_mem>>
        %dma_start3A = arith.constant 0 : i32
        %dma_start3A_68 = tpu.memref_slice %arg2[%add3A_61, %dma_start3A] : memref<20000x64xf32, #tpu.memory_space<hbm>> -> memref<125x64xf32, #tpu.memory_space<hbm>>
        %dma_start3A_69 = arith.constant 0 : i32
        %dma_start3A_70 = tpu.memref_slice %arg2[%add3A_61, %dma_start3A_69] : memref<20000x64xf32, #tpu.memory_space<hbm>> -> memref<125x64xf32, #tpu.memory_space<hbm>>
        tpu.enqueue_dma source(%dma_start3A_70 : memref<125x64xf32, #tpu.memory_space<hbm>>) target(%arg12 : memref<125x64xf32, #tpu.memory_space<vmem>>) target_semaphore(%run_scoped3A : memref<!tpu.dma_semaphore, #tpu.memory_space<semaphore_mem>>)
        %dma_wait3A = arith.constant 0 : i32
        %dma_wait3A_71 = tpu.memref_slice %arg2[%add3A_61, %dma_wait3A] : memref<20000x64xf32, #tpu.memory_space<hbm>> -> memref<125x64xf32, #tpu.memory_space<hbm>>
        %dma_wait3A_72 = arith.constant 0 : i32
        %dma_wait3A_73 = tpu.memref_slice %arg2[%add3A_61, %dma_wait3A_72] : memref<20000x64xf32, #tpu.memory_space<hbm>> -> memref<125x64xf32, #tpu.memory_space<hbm>>
        tpu.wait_dma2 semaphore(%run_scoped3A : memref<!tpu.dma_semaphore, #tpu.memory_space<semaphore_mem>>) src(%dma_wait3A_73 : memref<125x64xf32, #tpu.memory_space<hbm>>) dst(%arg12 : memref<125x64xf32, #tpu.memory_space<vmem>>)
        tpu.yield
      }) : () -> ()
      %scan3A_62 = arith.constant 0 : i32
      %scan3A_63 = arith.constant 125 : i32
      %scan3A_64 = arith.addi %scan3A_62, %scan3A_63 : i32
      %scan3A_65 = arith.constant 1 : i32
      scf.for %scan3A_68 = %scan3A_62 to %scan3A_64 step %scan3A_65  : i32 {
        %mul3A_69 = arith.constant 1 : i32
        %mul3A_70 = arith.muli %scan3A_68, %mul3A_69 : i32
        %add3A_71 = arith.constant 0 : i32
        %add3A_72 = arith.addi %add3A_71, %mul3A_70 : i32
        %mul3A_73 = arith.constant 125 : i32
        %mul3A_74 = arith.muli %add3A_55, %mul3A_73 : i32
        %add3A_75 = arith.addi %mul3A_74, %add3A_72 : i32
        %get3A = arith.index_cast %add3A_75 : i32 to index
        %get3A_76 = tpu.vector_load %arg11[%get3A] {strides = array<i32>} : memref<640xf32, #tpu.memory_space<vmem>>, vector<16xf32>,
        %slice3A = vector.extract_strided_slice %get3A_76 {offsets = [0], sizes = [1], strides = [1]} : vector<16xf32> to vector<1xf32>
        %squeeze3A = vector.extract %slice3A[0] : f32 from vector<1xf32>
        %mul3A_77 = arith.constant 1.000000e+01 : f32
        %mul3A_78 = arith.mulf %mul3A_77, %squeeze3A : f32
        %get3A_79 = arith.index_cast %add3A_72 : i32 to index
        %get3A_80 = arith.constant 0 : index
        %get3A_81 = tpu.vector_load %arg12[%get3A_79, %get3A_80] {strides = array<i32>} : memref<125x64xf32, #tpu.memory_space<vmem>>, vector<16xf32>,
        %mul3A_82 = vector.broadcast %mul3A_78 : f32 to vector<16xf32>
        %mul3A_83 = arith.mulf %mul3A_82, %get3A_81 : vector<16xf32>
        %swap3A = arith.index_cast %add3A_72 : i32 to index
        %swap3A_84 = arith.constant 0 : index
        %swap3A_85 = tpu.vector_load %arg12[%swap3A, %swap3A_84] {strides = array<i32>} : memref<125x64xf32, #tpu.memory_space<vmem>>, vector<16xf32>,
        tpu.vector_store %arg12[%swap3A, %swap3A_84], %mul3A_83 {strides = array<i32>} : memref<125x64xf32, #tpu.memory_space<vmem>>, vector<16xf32>,
        %get3A_86 = arith.index_cast %add3A_72 : i32 to index
        %get3A_87 = arith.constant 16 : index
        %get3A_88 = tpu.vector_load %arg12[%get3A_86, %get3A_87] {strides = array<i32>} : memref<125x64xf32, #tpu.memory_space<vmem>>, vector<16xf32>,
        %mul3A_89 = vector.broadcast %mul3A_78 : f32 to vector<16xf32>
        %mul3A_90 = arith.mulf %mul3A_89, %get3A_88 : vector<16xf32>
        %swap3A_91 = arith.index_cast %add3A_72 : i32 to index
        %swap3A_92 = arith.constant 16 : index
        %swap3A_93 = tpu.vector_load %arg12[%swap3A_91, %swap3A_92] {strides = array<i32>} : memref<125x64xf32, #tpu.memory_space<vmem>>, vector<16xf32>,
        tpu.vector_store %arg12[%swap3A_91, %swap3A_92], %mul3A_90 {strides = array<i32>} : memref<125x64xf32, #tpu.memory_space<vmem>>, vector<16xf32>,
        %get3A_94 = arith.index_cast %add3A_72 : i32 to index
        %get3A_95 = arith.constant 32 : index
        %get3A_96 = tpu.vector_load %arg12[%get3A_94, %get3A_95] {strides = array<i32>} : memref<125x64xf32, #tpu.memory_space<vmem>>, vector<16xf32>,
        %mul3A_97 = vector.broadcast %mul3A_78 : f32 to vector<16xf32>
        %mul3A_98 = arith.mulf %mul3A_97, %get3A_96 : vector<16xf32>
        %swap3A_99 = arith.index_cast %add3A_72 : i32 to index
        %swap3A_100 = arith.constant 32 : index
        %swap3A_101 = tpu.vector_load %arg12[%swap3A_99, %swap3A_100] {strides = array<i32>} : memref<125x64xf32, #tpu.memory_space<vmem>>, vector<16xf32>,
        tpu.vector_store %arg12[%swap3A_99, %swap3A_100], %mul3A_98 {strides = array<i32>} : memref<125x64xf32, #tpu.memory_space<vmem>>, vector<16xf32>,
        %get3A_102 = arith.index_cast %add3A_72 : i32 to index
        %get3A_103 = arith.constant 48 : index
        %get3A_104 = tpu.vector_load %arg12[%get3A_102, %get3A_103] {strides = array<i32>} : memref<125x64xf32, #tpu.memory_space<vmem>>, vector<16xf32>,
        %mul3A_105 = vector.broadcast %mul3A_78 : f32 to vector<16xf32>
        %mul3A_106 = arith.mulf %mul3A_105, %get3A_104 : vector<16xf32>
        %swap3A_107 = arith.index_cast %add3A_72 : i32 to index
        %swap3A_108 = arith.constant 48 : index
        %swap3A_109 = tpu.vector_load %arg12[%swap3A_107, %swap3A_108] {strides = array<i32>} : memref<125x64xf32, #tpu.memory_space<vmem>>, vector<16xf32>,
        tpu.vector_store %arg12[%swap3A_107, %swap3A_108], %mul3A_106 {strides = array<i32>} : memref<125x64xf32, #tpu.memory_space<vmem>>, vector<16xf32>,
      }
      %scan3A_66 = arith.constant 125 : i32
      %add3A_67 = arith.addi %mul3A_0, %add3A_60 : i32
      "tpu.region"() ({
        %run_scoped3A = tpu.sem_alloc : memref<!tpu.dma_semaphore, #tpu.memory_space<semaphore_mem>>
        %dma_start3A = arith.constant 0 : i32
        %dma_start3A_68 = tpu.memref_slice %arg6[%add3A_67, %dma_start3A] : memref<20000x64xf32, #tpu.memory_space<hbm>> -> memref<125x64xf32, #tpu.memory_space<hbm>>
        %dma_start3A_69 = arith.constant 0 : i32
        %dma_start3A_70 = tpu.memref_slice %arg6[%add3A_67, %dma_start3A_69] : memref<20000x64xf32, #tpu.memory_space<hbm>> -> memref<125x64xf32, #tpu.memory_space<hbm>>
        tpu.enqueue_dma source(%arg12 : memref<125x64xf32, #tpu.memory_space<vmem>>) target(%dma_start3A_70 : memref<125x64xf32, #tpu.memory_space<hbm>>) target_semaphore(%run_scoped3A : memref<!tpu.dma_semaphore, #tpu.memory_space<semaphore_mem>>)
        %dma_wait3A = arith.constant 0 : i32
        %dma_wait3A_71 = tpu.memref_slice %arg6[%add3A_67, %dma_wait3A] : memref<20000x64xf32, #tpu.memory_space<hbm>> -> memref<125x64xf32, #tpu.memory_space<hbm>>
        %dma_wait3A_72 = arith.constant 0 : i32
        %dma_wait3A_73 = tpu.memref_slice %arg6[%add3A_67, %dma_wait3A_72] : memref<20000x64xf32, #tpu.memory_space<hbm>> -> memref<125x64xf32, #tpu.memory_space<hbm>>
        tpu.wait_dma2 semaphore(%run_scoped3A : memref<!tpu.dma_semaphore, #tpu.memory_space<semaphore_mem>>) src(%arg12 : memref<125x64xf32, #tpu.memory_space<vmem>>) dst(%dma_wait3A_73 : memref<125x64xf32, #tpu.memory_space<hbm>>)
        tpu.yield
      }) : () -> ()
    }
    %scan3A_45 = arith.constant 5 : i32
    %barrier3A_46 = arith.constant 0 : index
    tpu.barrier barrier_id(%barrier3A_46)
    %scan3A_47 = arith.constant 0 : i32
    %scan3A_48 = arith.constant 50 : i32
    %scan3A_49 = arith.addi %scan3A_47, %scan3A_48 : i32
    %scan3A_50 = arith.constant 1 : i32
    scf.for %scan3A_52 = %scan3A_47 to %scan3A_49 step %scan3A_50  : i32 {
      %mul3A_53 = arith.constant 1 : i32
      %mul3A_54 = arith.muli %scan3A_52, %mul3A_53 : i32
      %add3A = arith.constant 0 : i32
      %add3A_55 = arith.addi %add3A, %mul3A_54 : i32
      %dma_start3A = arith.constant 0 : i32
      %dma_start3A_56 = arith.constant 0 : i32
      %dma_start3A_57 = tpu.memref_slice %arg7[%dma_start3A, %dma_start3A_56] : memref<82x256xi32, #tpu.memory_space<vmem>> -> memref<1x256xi32, #tpu.memory_space<vmem>>
      %dma_start3A_58 = tpu.memref_squeeze %dma_start3A_57 : memref<1x256xi32, #tpu.memory_space<vmem>> -> memref<256xi32, #tpu.memory_space<vmem>>
      %dma_start3A_59 = arith.constant 0 : i32
      %dma_start3A_60 = arith.constant 0 : i32
      %dma_start3A_61 = tpu.memref_slice %arg6[%dma_start3A_59, %dma_start3A_60] : memref<20000x64xf32, #tpu.memory_space<hbm>> -> memref<20000x64xf32, #tpu.memory_space<hbm>>
      tpu.enqueue_indirect_dma source(%dma_start3A_61 : memref<20000x64xf32, #tpu.memory_space<hbm>>) target(%arg9 : memref<256x64xf32, #tpu.memory_space<vmem>>) offsets(%dma_start3A_58 : memref<256xi32, #tpu.memory_space<vmem>>) semaphore(%arg14 : memref<!tpu.dma_semaphore, #tpu.memory_space<semaphore_mem>>)
      %dma_start3A_62 = arith.constant 1 : i32
      %dma_start3A_63 = arith.constant 0 : i32
      %dma_start3A_64 = tpu.memref_slice %arg7[%dma_start3A_62, %dma_start3A_63] : memref<82x256xi32, #tpu.memory_space<vmem>> -> memref<1x256xi32, #tpu.memory_space<vmem>>
      %dma_start3A_65 = tpu.memref_squeeze %dma_start3A_64 : memref<1x256xi32, #tpu.memory_space<vmem>> -> memref<256xi32, #tpu.memory_space<vmem>>
      %dma_start3A_66 = arith.constant 0 : i32
      %dma_start3A_67 = arith.constant 0 : i32
      %dma_start3A_68 = tpu.memref_slice %arg6[%dma_start3A_66, %dma_start3A_67] : memref<20000x64xf32, #tpu.memory_space<hbm>> -> memref<20000x64xf32, #tpu.memory_space<hbm>>
      tpu.enqueue_indirect_dma source(%dma_start3A_68 : memref<20000x64xf32, #tpu.memory_space<hbm>>) target(%arg10 : memref<256x64xf32, #tpu.memory_space<vmem>>) offsets(%dma_start3A_65 : memref<256xi32, #tpu.memory_space<vmem>>) semaphore(%arg15 : memref<!tpu.dma_semaphore, #tpu.memory_space<semaphore_mem>>)
      %scan3A_69 = arith.constant 0 : i32
      %scan3A_70 = arith.constant 41 : i32
      %scan3A_71 = arith.addi %scan3A_69, %scan3A_70 : i32
      %scan3A_72 = arith.constant 1 : i32
      scf.for %scan3A_120 = %scan3A_69 to %scan3A_71 step %scan3A_72  : i32 {
        %mul3A_121 = arith.constant 1 : i32
        %mul3A_122 = arith.muli %scan3A_120, %mul3A_121 : i32
        %add3A_123 = arith.constant 0 : i32
        %add3A_124 = arith.addi %add3A_123, %mul3A_122 : i32
        %mul3A_125 = arith.constant 2 : i32
        %mul3A_126 = arith.muli %mul3A_125, %add3A_124 : i32
        %add3A_127 = arith.constant 0 : i32
        %add3A_128 = arith.addi %mul3A_126, %add3A_127 : i32
        %dma_wait3A_129 = arith.constant 0 : i32
        %dma_wait3A_130 = tpu.memref_slice %arg7[%add3A_128, %dma_wait3A_129] : memref<82x256xi32, #tpu.memory_space<vmem>> -> memref<1x256xi32, #tpu.memory_space<vmem>>
        %dma_wait3A_131 = tpu.memref_squeeze %dma_wait3A_130 : memref<1x256xi32, #tpu.memory_space<vmem>> -> memref<256xi32, #tpu.memory_space<vmem>>
        %dma_wait3A_132 = arith.constant 0 : i32
        %dma_wait3A_133 = arith.constant 0 : i32
        %dma_wait3A_134 = tpu.memref_slice %arg6[%dma_wait3A_132, %dma_wait3A_133] : memref<20000x64xf32, #tpu.memory_space<hbm>> -> memref<20000x64xf32, #tpu.memory_space<hbm>>
        tpu.wait_indirect_dma semaphore(%arg14 : memref<!tpu.dma_semaphore, #tpu.memory_space<semaphore_mem>>) src(%dma_wait3A_134 : memref<20000x64xf32, #tpu.memory_space<hbm>>) dst(%arg9 : memref<256x64xf32, #tpu.memory_space<vmem>>)
        %mul3A_135 = arith.constant 2 : i32
        %mul3A_136 = arith.muli %mul3A_135, %add3A_128 : i32
        %dma_start3A_137 = arith.constant 0 : i32
        %dma_start3A_138 = arith.constant 0 : i32
        %dma_start3A_139 = tpu.memref_slice %arg9[%dma_start3A_137, %dma_start3A_138] : memref<256x64xf32, #tpu.memory_space<vmem>> -> memref<128x64xf32, #tpu.memory_space<vmem>>
        %dma_start3A_140 = arith.constant 0 : i32
        %dma_start3A_141 = tpu.memref_slice %arg8[%mul3A_136, %dma_start3A_140] : memref<164x128xi32, #tpu.memory_space<vmem>> -> memref<1x128xi32, #tpu.memory_space<vmem>>
        %dma_start3A_142 = tpu.memref_squeeze %dma_start3A_141 : memref<1x128xi32, #tpu.memory_space<vmem>> -> memref<128xi32, #tpu.memory_space<vmem>>
        %dma_start3A_143 = arith.constant 0 : i32
        %dma_start3A_144 = arith.constant 0 : i32
        %dma_start3A_145 = tpu.memref_slice %arg13[%dma_start3A_143, %dma_start3A_144] : memref<10240x64xf32, #tpu.memory_space<vmem_shared>> -> memref<10240x64xf32, #tpu.memory_space<vmem_shared>>
        tpu.enqueue_indirect_dma source(%dma_start3A_139 : memref<128x64xf32, #tpu.memory_space<vmem>>) target(%dma_start3A_145 : memref<10240x64xf32, #tpu.memory_space<vmem_shared>>) offsets(%dma_start3A_142 : memref<128xi32, #tpu.memory_space<vmem>>) semaphore(%arg16 : memref<!tpu.dma_semaphore, #tpu.memory_space<semaphore_mem>>) {add = true}
        %mul3A_146 = arith.constant 2 : i32
        %mul3A_147 = arith.muli %mul3A_146, %add3A_128 : i32
        %add3A_148 = arith.constant 1 : i32
        %add3A_149 = arith.addi %mul3A_147, %add3A_148 : i32
        %dma_start3A_150 = arith.constant 128 : i32
        %dma_start3A_151 = arith.constant 0 : i32
        %dma_start3A_152 = tpu.memref_slice %arg9[%dma_start3A_150, %dma_start3A_151] : memref<256x64xf32, #tpu.memory_space<vmem>> -> memref<128x64xf32, #tpu.memory_space<vmem>>
        %dma_start3A_153 = arith.constant 0 : i32
        %dma_start3A_154 = tpu.memref_slice %arg8[%add3A_149, %dma_start3A_153] : memref<164x128xi32, #tpu.memory_space<vmem>> -> memref<1x128xi32, #tpu.memory_space<vmem>>
        %dma_start3A_155 = tpu.memref_squeeze %dma_start3A_154 : memref<1x128xi32, #tpu.memory_space<vmem>> -> memref<128xi32, #tpu.memory_space<vmem>>
        %dma_start3A_156 = arith.constant 0 : i32
        %dma_start3A_157 = arith.constant 0 : i32
        %dma_start3A_158 = tpu.memref_slice %arg13[%dma_start3A_156, %dma_start3A_157] : memref<10240x64xf32, #tpu.memory_space<vmem_shared>> -> memref<10240x64xf32, #tpu.memory_space<vmem_shared>>
        tpu.enqueue_indirect_dma source(%dma_start3A_152 : memref<128x64xf32, #tpu.memory_space<vmem>>) target(%dma_start3A_158 : memref<10240x64xf32, #tpu.memory_space<vmem_shared>>) offsets(%dma_start3A_155 : memref<128xi32, #tpu.memory_space<vmem>>) semaphore(%arg16 : memref<!tpu.dma_semaphore, #tpu.memory_space<semaphore_mem>>) {add = true}
        %add3A_159 = arith.constant 2 : i32
        %add3A_160 = arith.addi %add3A_128, %add3A_159 : i32
        %lt3A = arith.constant 82 : i32
        %lt3A_161 = arith.cmpi slt, %add3A_160, %lt3A : i32
        %convert_element_type3A = arith.extui %lt3A_161 : i1 to i32
        %cond3A = arith.constant 0 : i32
        %cond3A_162 = arith.cmpi ne, %convert_element_type3A, %cond3A : i32
        scf.if %cond3A_162 {
          %mul3A_204 = arith.constant 2 : i32
          %mul3A_205 = arith.muli %mul3A_204, %add3A_128 : i32
          %dma_wait3A_206 = arith.constant 0 : i32
          %dma_wait3A_207 = arith.constant 0 : i32
          %dma_wait3A_208 = tpu.memref_slice %arg9[%dma_wait3A_206, %dma_wait3A_207] : memref<256x64xf32, #tpu.memory_space<vmem>> -> memref<128x64xf32, #tpu.memory_space<vmem>>
          %dma_wait3A_209 = arith.constant 0 : i32
          %dma_wait3A_210 = tpu.memref_slice %arg8[%mul3A_205, %dma_wait3A_209] : memref<164x128xi32, #tpu.memory_space<vmem>> -> memref<1x128xi32, #tpu.memory_space<vmem>>
          %dma_wait3A_211 = tpu.memref_squeeze %dma_wait3A_210 : memref<1x128xi32, #tpu.memory_space<vmem>> -> memref<128xi32, #tpu.memory_space<vmem>>
          %dma_wait3A_212 = arith.constant 0 : i32
          %dma_wait3A_213 = arith.constant 0 : i32
          %dma_wait3A_214 = tpu.memref_slice %arg13[%dma_wait3A_212, %dma_wait3A_213] : memref<10240x64xf32, #tpu.memory_space<vmem_shared>> -> memref<10240x64xf32, #tpu.memory_space<vmem_shared>>
          tpu.wait_indirect_dma semaphore(%arg16 : memref<!tpu.dma_semaphore, #tpu.memory_space<semaphore_mem>>) src(%dma_wait3A_208 : memref<128x64xf32, #tpu.memory_space<vmem>>) dst(%dma_wait3A_214 : memref<10240x64xf32, #tpu.memory_space<vmem_shared>>)
          %mul3A_215 = arith.constant 2 : i32
          %mul3A_216 = arith.muli %mul3A_215, %add3A_128 : i32
          %add3A_217 = arith.constant 1 : i32
          %add3A_218 = arith.addi %mul3A_216, %add3A_217 : i32
          %dma_wait3A_219 = arith.constant 128 : i32
          %dma_wait3A_220 = arith.constant 0 : i32
          %dma_wait3A_221 = tpu.memref_slice %arg9[%dma_wait3A_219, %dma_wait3A_220] : memref<256x64xf32, #tpu.memory_space<vmem>> -> memref<128x64xf32, #tpu.memory_space<vmem>>
          %dma_wait3A_222 = arith.constant 0 : i32
          %dma_wait3A_223 = tpu.memref_slice %arg8[%add3A_218, %dma_wait3A_222] : memref<164x128xi32, #tpu.memory_space<vmem>> -> memref<1x128xi32, #tpu.memory_space<vmem>>
          %dma_wait3A_224 = tpu.memref_squeeze %dma_wait3A_223 : memref<1x128xi32, #tpu.memory_space<vmem>> -> memref<128xi32, #tpu.memory_space<vmem>>
          %dma_wait3A_225 = arith.constant 0 : i32
          %dma_wait3A_226 = arith.constant 0 : i32
          %dma_wait3A_227 = tpu.memref_slice %arg13[%dma_wait3A_225, %dma_wait3A_226] : memref<10240x64xf32, #tpu.memory_space<vmem_shared>> -> memref<10240x64xf32, #tpu.memory_space<vmem_shared>>
          tpu.wait_indirect_dma semaphore(%arg16 : memref<!tpu.dma_semaphore, #tpu.memory_space<semaphore_mem>>) src(%dma_wait3A_221 : memref<128x64xf32, #tpu.memory_space<vmem>>) dst(%dma_wait3A_227 : memref<10240x64xf32, #tpu.memory_space<vmem_shared>>)
          %add3A_228 = arith.constant 2 : i32
          %add3A_229 = arith.addi %add3A_128, %add3A_228 : i32
          %dma_start3A_230 = arith.constant 0 : i32
          %dma_start3A_231 = tpu.memref_slice %arg7[%add3A_229, %dma_start3A_230] : memref<82x256xi32, #tpu.memory_space<vmem>> -> memref<1x256xi32, #tpu.memory_space<vmem>>
          %dma_start3A_232 = tpu.memref_squeeze %dma_start3A_231 : memref<1x256xi32, #tpu.memory_space<vmem>> -> memref<256xi32, #tpu.memory_space<vmem>>
          %dma_start3A_233 = arith.constant 0 : i32
          %dma_start3A_234 = arith.constant 0 : i32
          %dma_start3A_235 = tpu.memref_slice %arg6[%dma_start3A_233, %dma_start3A_234] : memref<20000x64xf32, #tpu.memory_space<hbm>> -> memref<20000x64xf32, #tpu.memory_space<hbm>>
          tpu.enqueue_indirect_dma source(%dma_start3A_235 : memref<20000x64xf32, #tpu.memory_space<hbm>>) target(%arg9 : memref<256x64xf32, #tpu.memory_space<vmem>>) offsets(%dma_start3A_232 : memref<256xi32, #tpu.memory_space<vmem>>) semaphore(%arg14 : memref<!tpu.dma_semaphore, #tpu.memory_space<semaphore_mem>>)
        } else {
        }
        %mul3A_163 = arith.constant 2 : i32
        %mul3A_164 = arith.muli %mul3A_163, %add3A_124 : i32
        %add3A_165 = arith.constant 1 : i32
        %add3A_166 = arith.addi %mul3A_164, %add3A_165 : i32
        %dma_wait3A_167 = arith.constant 0 : i32
        %dma_wait3A_168 = tpu.memref_slice %arg7[%add3A_166, %dma_wait3A_167] : memref<82x256xi32, #tpu.memory_space<vmem>> -> memref<1x256xi32, #tpu.memory_space<vmem>>
        %dma_wait3A_169 = tpu.memref_squeeze %dma_wait3A_168 : memref<1x256xi32, #tpu.memory_space<vmem>> -> memref<256xi32, #tpu.memory_space<vmem>>
        %dma_wait3A_170 = arith.constant 0 : i32
        %dma_wait3A_171 = arith.constant 0 : i32
        %dma_wait3A_172 = tpu.memref_slice %arg6[%dma_wait3A_170, %dma_wait3A_171] : memref<20000x64xf32, #tpu.memory_space<hbm>> -> memref<20000x64xf32, #tpu.memory_space<hbm>>
        tpu.wait_indirect_dma semaphore(%arg15 : memref<!tpu.dma_semaphore, #tpu.memory_space<semaphore_mem>>) src(%dma_wait3A_172 : memref<20000x64xf32, #tpu.memory_space<hbm>>) dst(%arg10 : memref<256x64xf32, #tpu.memory_space<vmem>>)
        %mul3A_173 = arith.constant 2 : i32
        %mul3A_174 = arith.muli %mul3A_173, %add3A_166 : i32
        %dma_start3A_175 = arith.constant 0 : i32
        %dma_start3A_176 = arith.constant 0 : i32
        %dma_start3A_177 = tpu.memref_slice %arg10[%dma_start3A_175, %dma_start3A_176] : memref<256x64xf32, #tpu.memory_space<vmem>> -> memref<128x64xf32, #tpu.memory_space<vmem>>
        %dma_start3A_178 = arith.constant 0 : i32
        %dma_start3A_179 = tpu.memref_slice %arg8[%mul3A_174, %dma_start3A_178] : memref<164x128xi32, #tpu.memory_space<vmem>> -> memref<1x128xi32, #tpu.memory_space<vmem>>
        %dma_start3A_180 = tpu.memref_squeeze %dma_start3A_179 : memref<1x128xi32, #tpu.memory_space<vmem>> -> memref<128xi32, #tpu.memory_space<vmem>>
        %dma_start3A_181 = arith.constant 0 : i32
        %dma_start3A_182 = arith.constant 0 : i32
        %dma_start3A_183 = tpu.memref_slice %arg13[%dma_start3A_181, %dma_start3A_182] : memref<10240x64xf32, #tpu.memory_space<vmem_shared>> -> memref<10240x64xf32, #tpu.memory_space<vmem_shared>>
        tpu.enqueue_indirect_dma source(%dma_start3A_177 : memref<128x64xf32, #tpu.memory_space<vmem>>) target(%dma_start3A_183 : memref<10240x64xf32, #tpu.memory_space<vmem_shared>>) offsets(%dma_start3A_180 : memref<128xi32, #tpu.memory_space<vmem>>) semaphore(%arg17 : memref<!tpu.dma_semaphore, #tpu.memory_space<semaphore_mem>>) {add = true}
        %mul3A_184 = arith.constant 2 : i32
        %mul3A_185 = arith.muli %mul3A_184, %add3A_166 : i32
        %add3A_186 = arith.constant 1 : i32
        %add3A_187 = arith.addi %mul3A_185, %add3A_186 : i32
        %dma_start3A_188 = arith.constant 128 : i32
        %dma_start3A_189 = arith.constant 0 : i32
        %dma_start3A_190 = tpu.memref_slice %arg10[%dma_start3A_188, %dma_start3A_189] : memref<256x64xf32, #tpu.memory_space<vmem>> -> memref<128x64xf32, #tpu.memory_space<vmem>>
        %dma_start3A_191 = arith.constant 0 : i32
        %dma_start3A_192 = tpu.memref_slice %arg8[%add3A_187, %dma_start3A_191] : memref<164x128xi32, #tpu.memory_space<vmem>> -> memref<1x128xi32, #tpu.memory_space<vmem>>
        %dma_start3A_193 = tpu.memref_squeeze %dma_start3A_192 : memref<1x128xi32, #tpu.memory_space<vmem>> -> memref<128xi32, #tpu.memory_space<vmem>>
        %dma_start3A_194 = arith.constant 0 : i32
        %dma_start3A_195 = arith.constant 0 : i32
        %dma_start3A_196 = tpu.memref_slice %arg13[%dma_start3A_194, %dma_start3A_195] : memref<10240x64xf32, #tpu.memory_space<vmem_shared>> -> memref<10240x64xf32, #tpu.memory_space<vmem_shared>>
        tpu.enqueue_indirect_dma source(%dma_start3A_190 : memref<128x64xf32, #tpu.memory_space<vmem>>) target(%dma_start3A_196 : memref<10240x64xf32, #tpu.memory_space<vmem_shared>>) offsets(%dma_start3A_193 : memref<128xi32, #tpu.memory_space<vmem>>) semaphore(%arg17 : memref<!tpu.dma_semaphore, #tpu.memory_space<semaphore_mem>>) {add = true}
        %add3A_197 = arith.constant 2 : i32
        %add3A_198 = arith.addi %add3A_166, %add3A_197 : i32
        %lt3A_199 = arith.constant 82 : i32
        %lt3A_200 = arith.cmpi slt, %add3A_198, %lt3A_199 : i32
        %convert_element_type3A_201 = arith.extui %lt3A_200 : i1 to i32
        %cond3A_202 = arith.constant 0 : i32
        %cond3A_203 = arith.cmpi ne, %convert_element_type3A_201, %cond3A_202 : i32
        scf.if %cond3A_203 {
          %mul3A_204 = arith.constant 2 : i32
          %mul3A_205 = arith.muli %mul3A_204, %add3A_166 : i32
          %dma_wait3A_206 = arith.constant 0 : i32
          %dma_wait3A_207 = arith.constant 0 : i32
          %dma_wait3A_208 = tpu.memref_slice %arg10[%dma_wait3A_206, %dma_wait3A_207] : memref<256x64xf32, #tpu.memory_space<vmem>> -> memref<128x64xf32, #tpu.memory_space<vmem>>
          %dma_wait3A_209 = arith.constant 0 : i32
          %dma_wait3A_210 = tpu.memref_slice %arg8[%mul3A_205, %dma_wait3A_209] : memref<164x128xi32, #tpu.memory_space<vmem>> -> memref<1x128xi32, #tpu.memory_space<vmem>>
          %dma_wait3A_211 = tpu.memref_squeeze %dma_wait3A_210 : memref<1x128xi32, #tpu.memory_space<vmem>> -> memref<128xi32, #tpu.memory_space<vmem>>
          %dma_wait3A_212 = arith.constant 0 : i32
          %dma_wait3A_213 = arith.constant 0 : i32
          %dma_wait3A_214 = tpu.memref_slice %arg13[%dma_wait3A_212, %dma_wait3A_213] : memref<10240x64xf32, #tpu.memory_space<vmem_shared>> -> memref<10240x64xf32, #tpu.memory_space<vmem_shared>>
          tpu.wait_indirect_dma semaphore(%arg17 : memref<!tpu.dma_semaphore, #tpu.memory_space<semaphore_mem>>) src(%dma_wait3A_208 : memref<128x64xf32, #tpu.memory_space<vmem>>) dst(%dma_wait3A_214 : memref<10240x64xf32, #tpu.memory_space<vmem_shared>>)
          %mul3A_215 = arith.constant 2 : i32
          %mul3A_216 = arith.muli %mul3A_215, %add3A_166 : i32
          %add3A_217 = arith.constant 1 : i32
          %add3A_218 = arith.addi %mul3A_216, %add3A_217 : i32
          %dma_wait3A_219 = arith.constant 128 : i32
          %dma_wait3A_220 = arith.constant 0 : i32
          %dma_wait3A_221 = tpu.memref_slice %arg10[%dma_wait3A_219, %dma_wait3A_220] : memref<256x64xf32, #tpu.memory_space<vmem>> -> memref<128x64xf32, #tpu.memory_space<vmem>>
          %dma_wait3A_222 = arith.constant 0 : i32
          %dma_wait3A_223 = tpu.memref_slice %arg8[%add3A_218, %dma_wait3A_222] : memref<164x128xi32, #tpu.memory_space<vmem>> -> memref<1x128xi32, #tpu.memory_space<vmem>>
          %dma_wait3A_224 = tpu.memref_squeeze %dma_wait3A_223 : memref<1x128xi32, #tpu.memory_space<vmem>> -> memref<128xi32, #tpu.memory_space<vmem>>
          %dma_wait3A_225 = arith.constant 0 : i32
          %dma_wait3A_226 = arith.constant 0 : i32
          %dma_wait3A_227 = tpu.memref_slice %arg13[%dma_wait3A_225, %dma_wait3A_226] : memref<10240x64xf32, #tpu.memory_space<vmem_shared>> -> memref<10240x64xf32, #tpu.memory_space<vmem_shared>>
          tpu.wait_indirect_dma semaphore(%arg17 : memref<!tpu.dma_semaphore, #tpu.memory_space<semaphore_mem>>) src(%dma_wait3A_221 : memref<128x64xf32, #tpu.memory_space<vmem>>) dst(%dma_wait3A_227 : memref<10240x64xf32, #tpu.memory_space<vmem_shared>>)
          %add3A_228 = arith.constant 2 : i32
          %add3A_229 = arith.addi %add3A_166, %add3A_228 : i32
          %dma_start3A_230 = arith.constant 0 : i32
          %dma_start3A_231 = tpu.memref_slice %arg7[%add3A_229, %dma_start3A_230] : memref<82x256xi32, #tpu.memory_space<vmem>> -> memref<1x256xi32, #tpu.memory_space<vmem>>
          %dma_start3A_232 = tpu.memref_squeeze %dma_start3A_231 : memref<1x256xi32, #tpu.memory_space<vmem>> -> memref<256xi32, #tpu.memory_space<vmem>>
          %dma_start3A_233 = arith.constant 0 : i32
          %dma_start3A_234 = arith.constant 0 : i32
          %dma_start3A_235 = tpu.memref_slice %arg6[%dma_start3A_233, %dma_start3A_234] : memref<20000x64xf32, #tpu.memory_space<hbm>> -> memref<20000x64xf32, #tpu.memory_space<hbm>>
          tpu.enqueue_indirect_dma source(%dma_start3A_235 : memref<20000x64xf32, #tpu.memory_space<hbm>>) target(%arg10 : memref<256x64xf32, #tpu.memory_space<vmem>>) offsets(%dma_start3A_232 : memref<256xi32, #tpu.memory_space<vmem>>) semaphore(%arg15 : memref<!tpu.dma_semaphore, #tpu.memory_space<semaphore_mem>>)
        } else {
        }
      }
      %scan3A_73 = arith.constant 41 : i32
      %dma_wait3A = arith.constant 160 : i32
      %dma_wait3A_74 = arith.constant 0 : i32
      %dma_wait3A_75 = arith.constant 0 : i32
      %dma_wait3A_76 = tpu.memref_slice %arg9[%dma_wait3A_74, %dma_wait3A_75] : memref<256x64xf32, #tpu.memory_space<vmem>> -> memref<128x64xf32, #tpu.memory_space<vmem>>
      %dma_wait3A_77 = arith.constant 0 : i32
      %dma_wait3A_78 = tpu.memref_slice %arg8[%dma_wait3A, %dma_wait3A_77] : memref<164x128xi32, #tpu.memory_space<vmem>> -> memref<1x128xi32, #tpu.memory_space<vmem>>
      %dma_wait3A_79 = tpu.memref_squeeze %dma_wait3A_78 : memref<1x128xi32, #tpu.memory_space<vmem>> -> memref<128xi32, #tpu.memory_space<vmem>>
      %dma_wait3A_80 = arith.constant 0 : i32
      %dma_wait3A_81 = arith.constant 0 : i32
      %dma_wait3A_82 = tpu.memref_slice %arg13[%dma_wait3A_80, %dma_wait3A_81] : memref<10240x64xf32, #tpu.memory_space<vmem_shared>> -> memref<10240x64xf32, #tpu.memory_space<vmem_shared>>
      tpu.wait_indirect_dma semaphore(%arg16 : memref<!tpu.dma_semaphore, #tpu.memory_space<semaphore_mem>>) src(%dma_wait3A_76 : memref<128x64xf32, #tpu.memory_space<vmem>>) dst(%dma_wait3A_82 : memref<10240x64xf32, #tpu.memory_space<vmem_shared>>)
      %dma_wait3A_83 = arith.constant 161 : i32
      %dma_wait3A_84 = arith.constant 128 : i32
      %dma_wait3A_85 = arith.constant 0 : i32
      %dma_wait3A_86 = tpu.memref_slice %arg9[%dma_wait3A_84, %dma_wait3A_85] : memref<256x64xf32, #tpu.memory_space<vmem>> -> memref<128x64xf32, #tpu.memory_space<vmem>>
      %dma_wait3A_87 = arith.constant 0 : i32
      %dma_wait3A_88 = tpu.memref_slice %arg8[%dma_wait3A_83, %dma_wait3A_87] : memref<164x128xi32, #tpu.memory_space<vmem>> -> memref<1x128xi32, #tpu.memory_space<vmem>>
      %dma_wait3A_89 = tpu.memref_squeeze %dma_wait3A_88 : memref<1x128xi32, #tpu.memory_space<vmem>> -> memref<128xi32, #tpu.memory_space<vmem>>
      %dma_wait3A_90 = arith.constant 0 : i32
      %dma_wait3A_91 = arith.constant 0 : i32
      %dma_wait3A_92 = tpu.memref_slice %arg13[%dma_wait3A_90, %dma_wait3A_91] : memref<10240x64xf32, #tpu.memory_space<vmem_shared>> -> memref<10240x64xf32, #tpu.memory_space<vmem_shared>>
      tpu.wait_indirect_dma semaphore(%arg16 : memref<!tpu.dma_semaphore, #tpu.memory_space<semaphore_mem>>) src(%dma_wait3A_86 : memref<128x64xf32, #tpu.memory_space<vmem>>) dst(%dma_wait3A_92 : memref<10240x64xf32, #tpu.memory_space<vmem_shared>>)
      %dma_wait3A_93 = arith.constant 162 : i32
      %dma_wait3A_94 = arith.constant 0 : i32
      %dma_wait3A_95 = arith.constant 0 : i32
      %dma_wait3A_96 = tpu.memref_slice %arg10[%dma_wait3A_94, %dma_wait3A_95] : memref<256x64xf32, #tpu.memory_space<vmem>> -> memref<128x64xf32, #tpu.memory_space<vmem>>
      %dma_wait3A_97 = arith.constant 0 : i32
      %dma_wait3A_98 = tpu.memref_slice %arg8[%dma_wait3A_93, %dma_wait3A_97] : memref<164x128xi32, #tpu.memory_space<vmem>> -> memref<1x128xi32, #tpu.memory_space<vmem>>
      %dma_wait3A_99 = tpu.memref_squeeze %dma_wait3A_98 : memref<1x128xi32, #tpu.memory_space<vmem>> -> memref<128xi32, #tpu.memory_space<vmem>>
      %dma_wait3A_100 = arith.constant 0 : i32
      %dma_wait3A_101 = arith.constant 0 : i32
      %dma_wait3A_102 = tpu.memref_slice %arg13[%dma_wait3A_100, %dma_wait3A_101] : memref<10240x64xf32, #tpu.memory_space<vmem_shared>> -> memref<10240x64xf32, #tpu.memory_space<vmem_shared>>
      tpu.wait_indirect_dma semaphore(%arg17 : memref<!tpu.dma_semaphore, #tpu.memory_space<semaphore_mem>>) src(%dma_wait3A_96 : memref<128x64xf32, #tpu.memory_space<vmem>>) dst(%dma_wait3A_102 : memref<10240x64xf32, #tpu.memory_space<vmem_shared>>)
      %dma_wait3A_103 = arith.constant 163 : i32
      %dma_wait3A_104 = arith.constant 128 : i32
      %dma_wait3A_105 = arith.constant 0 : i32
      %dma_wait3A_106 = tpu.memref_slice %arg10[%dma_wait3A_104, %dma_wait3A_105] : memref<256x64xf32, #tpu.memory_space<vmem>> -> memref<128x64xf32, #tpu.memory_space<vmem>>
      %dma_wait3A_107 = arith.constant 0 : i32
      %dma_wait3A_108 = tpu.memref_slice %arg8[%dma_wait3A_103, %dma_wait3A_107] : memref<164x128xi32, #tpu.memory_space<vmem>> -> memref<1x128xi32, #tpu.memory_space<vmem>>
      %dma_wait3A_109 = tpu.memref_squeeze %dma_wait3A_108 : memref<1x128xi32, #tpu.memory_space<vmem>> -> memref<128xi32, #tpu.memory_space<vmem>>
      %dma_wait3A_110 = arith.constant 0 : i32
      %dma_wait3A_111 = arith.constant 0 : i32
      %dma_wait3A_112 = tpu.memref_slice %arg13[%dma_wait3A_110, %dma_wait3A_111] : memref<10240x64xf32, #tpu.memory_space<vmem_shared>> -> memref<10240x64xf32, #tpu.memory_space<vmem_shared>>
      tpu.wait_indirect_dma semaphore(%arg17 : memref<!tpu.dma_semaphore, #tpu.memory_space<semaphore_mem>>) src(%dma_wait3A_106 : memref<128x64xf32, #tpu.memory_space<vmem>>) dst(%dma_wait3A_112 : memref<10240x64xf32, #tpu.memory_space<vmem_shared>>)
      %barrier3A_113 = arith.constant 0 : index
      tpu.barrier barrier_id(%barrier3A_113)
      %scan3A_114 = arith.constant 0 : i32
      %scan3A_115 = arith.constant 5 : i32
      %scan3A_116 = arith.addi %scan3A_114, %scan3A_115 : i32
      %scan3A_117 = arith.constant 1 : i32
      scf.for %scan3A_120 = %scan3A_114 to %scan3A_116 step %scan3A_117  : i32 {
        %mul3A_121 = arith.constant 1 : i32
        %mul3A_122 = arith.muli %scan3A_120, %mul3A_121 : i32
        %add3A_123 = arith.constant 0 : i32
        %add3A_124 = arith.addi %add3A_123, %mul3A_122 : i32
        %mul3A_125 = arith.constant 625 : i32
        %mul3A_126 = arith.muli %arg1, %mul3A_125 : i32
        %mul3A_127 = arith.constant 125 : i32
        %mul3A_128 = arith.muli %add3A_124, %mul3A_127 : i32
        %add3A_129 = arith.addi %mul3A_126, %mul3A_128 : i32
        "tpu.region"() ({
          %run_scoped3A = tpu.sem_alloc : memref<!tpu.dma_semaphore, #tpu.memory_space<semaphore_mem>>
          %dma_start3A_140 = arith.constant 0 : i32
          %dma_start3A_141 = arith.constant 0 : i32
          %dma_start3A_142 = tpu.memref_slice %arg9[%dma_start3A_140, %dma_start3A_141] : memref<256x64xf32, #tpu.memory_space<vmem>> -> memref<125x64xf32, #tpu.memory_space<vmem>>
          %dma_start3A_143 = arith.constant 0 : i32
          %dma_start3A_144 = tpu.memref_slice %arg13[%add3A_129, %dma_start3A_143] : memref<10240x64xf32, #tpu.memory_space<vmem_shared>> -> memref<125x64xf32, #tpu.memory_space<vmem_shared>>
          %dma_start3A_145 = arith.constant 0 : i32
          %dma_start3A_146 = arith.constant 0 : i32
          %dma_start3A_147 = tpu.memref_slice %arg9[%dma_start3A_145, %dma_start3A_146] : memref<256x64xf32, #tpu.memory_space<vmem>> -> memref<125x64xf32, #tpu.memory_space<vmem>>
          %dma_start3A_148 = arith.constant 0 : i32
          %dma_start3A_149 = tpu.memref_slice %arg13[%add3A_129, %dma_start3A_148] : memref<10240x64xf32, #tpu.memory_space<vmem_shared>> -> memref<125x64xf32, #tpu.memory_space<vmem_shared>>
          tpu.enqueue_dma source(%dma_start3A_149 : memref<125x64xf32, #tpu.memory_space<vmem_shared>>) target(%dma_start3A_147 : memref<125x64xf32, #tpu.memory_space<vmem>>) target_semaphore(%run_scoped3A : memref<!tpu.dma_semaphore, #tpu.memory_space<semaphore_mem>>)
          %dma_wait3A_150 = arith.constant 0 : i32
          %dma_wait3A_151 = arith.constant 0 : i32
          %dma_wait3A_152 = tpu.memref_slice %arg9[%dma_wait3A_150, %dma_wait3A_151] : memref<256x64xf32, #tpu.memory_space<vmem>> -> memref<125x64xf32, #tpu.memory_space<vmem>>
          %dma_wait3A_153 = arith.constant 0 : i32
          %dma_wait3A_154 = tpu.memref_slice %arg13[%add3A_129, %dma_wait3A_153] : memref<10240x64xf32, #tpu.memory_space<vmem_shared>> -> memref<125x64xf32, #tpu.memory_space<vmem_shared>>
          %dma_wait3A_155 = arith.constant 0 : i32
          %dma_wait3A_156 = arith.constant 0 : i32
          %dma_wait3A_157 = tpu.memref_slice %arg9[%dma_wait3A_155, %dma_wait3A_156] : memref<256x64xf32, #tpu.memory_space<vmem>> -> memref<125x64xf32, #tpu.memory_space<vmem>>
          %dma_wait3A_158 = arith.constant 0 : i32
          %dma_wait3A_159 = tpu.memref_slice %arg13[%add3A_129, %dma_wait3A_158] : memref<10240x64xf32, #tpu.memory_space<vmem_shared>> -> memref<125x64xf32, #tpu.memory_space<vmem_shared>>
          tpu.wait_dma2 semaphore(%run_scoped3A : memref<!tpu.dma_semaphore, #tpu.memory_space<semaphore_mem>>) src(%dma_wait3A_159 : memref<125x64xf32, #tpu.memory_space<vmem_shared>>) dst(%dma_wait3A_157 : memref<125x64xf32, #tpu.memory_space<vmem>>)
          tpu.yield
        }) : () -> ()
        %add3A_130 = arith.addi %mul3A_0, %add3A_129 : i32
        "tpu.region"() ({
          %run_scoped3A = tpu.sem_alloc : memref<!tpu.dma_semaphore, #tpu.memory_space<semaphore_mem>>
          %dma_start3A_140 = arith.constant 0 : i32
          %dma_start3A_141 = tpu.memref_slice %arg2[%add3A_130, %dma_start3A_140] : memref<20000x64xf32, #tpu.memory_space<hbm>> -> memref<125x64xf32, #tpu.memory_space<hbm>>
          %dma_start3A_142 = arith.constant 0 : i32
          %dma_start3A_143 = tpu.memref_slice %arg2[%add3A_130, %dma_start3A_142] : memref<20000x64xf32, #tpu.memory_space<hbm>> -> memref<125x64xf32, #tpu.memory_space<hbm>>
          tpu.enqueue_dma source(%dma_start3A_143 : memref<125x64xf32, #tpu.memory_space<hbm>>) target(%arg12 : memref<125x64xf32, #tpu.memory_space<vmem>>) target_semaphore(%run_scoped3A : memref<!tpu.dma_semaphore, #tpu.memory_space<semaphore_mem>>)
          %dma_wait3A_144 = arith.constant 0 : i32
          %dma_wait3A_145 = tpu.memref_slice %arg2[%add3A_130, %dma_wait3A_144] : memref<20000x64xf32, #tpu.memory_space<hbm>> -> memref<125x64xf32, #tpu.memory_space<hbm>>
          %dma_wait3A_146 = arith.constant 0 : i32
          %dma_wait3A_147 = tpu.memref_slice %arg2[%add3A_130, %dma_wait3A_146] : memref<20000x64xf32, #tpu.memory_space<hbm>> -> memref<125x64xf32, #tpu.memory_space<hbm>>
          tpu.wait_dma2 semaphore(%run_scoped3A : memref<!tpu.dma_semaphore, #tpu.memory_space<semaphore_mem>>) src(%dma_wait3A_147 : memref<125x64xf32, #tpu.memory_space<hbm>>) dst(%arg12 : memref<125x64xf32, #tpu.memory_space<vmem>>)
          tpu.yield
        }) : () -> ()
        %scan3A_131 = arith.constant 0 : i32
        %scan3A_132 = arith.constant 125 : i32
        %scan3A_133 = arith.addi %scan3A_131, %scan3A_132 : i32
        %scan3A_134 = arith.constant 1 : i32
        scf.for %scan3A_140 = %scan3A_131 to %scan3A_133 step %scan3A_134  : i32 {
          %mul3A_141 = arith.constant 1 : i32
          %mul3A_142 = arith.muli %scan3A_140, %mul3A_141 : i32
          %add3A_143 = arith.constant 0 : i32
          %add3A_144 = arith.addi %add3A_143, %mul3A_142 : i32
          %mul3A_145 = arith.constant 125 : i32
          %mul3A_146 = arith.muli %add3A_124, %mul3A_145 : i32
          %add3A_147 = arith.addi %mul3A_146, %add3A_144 : i32
          %get3A = arith.index_cast %add3A_147 : i32 to index
          %get3A_148 = tpu.vector_load %arg11[%get3A] {strides = array<i32>} : memref<640xf32, #tpu.memory_space<vmem>>, vector<16xf32>,
          %slice3A = vector.extract_strided_slice %get3A_148 {offsets = [0], sizes = [1], strides = [1]} : vector<16xf32> to vector<1xf32>
          %squeeze3A = vector.extract %slice3A[0] : f32 from vector<1xf32>
          %mul3A_149 = arith.constant 0.899999976 : f32
          %mul3A_150 = arith.mulf %mul3A_149, %squeeze3A : f32
          %get3A_151 = arith.index_cast %add3A_144 : i32 to index
          %get3A_152 = arith.constant 0 : index
          %get3A_153 = tpu.vector_load %arg9[%get3A_151, %get3A_152] {strides = array<i32>} : memref<256x64xf32, #tpu.memory_space<vmem>>, vector<16xf32>,
          %mul3A_154 = vector.broadcast %mul3A_150 : f32 to vector<16xf32>
          %mul3A_155 = arith.mulf %mul3A_154, %get3A_153 : vector<16xf32>
          %get3A_156 = arith.index_cast %add3A_144 : i32 to index
          %get3A_157 = arith.constant 0 : index
          %get3A_158 = tpu.vector_load %arg12[%get3A_156, %get3A_157] {strides = array<i32>} : memref<125x64xf32, #tpu.memory_space<vmem>>, vector<16xf32>,
          %add3A_159 = arith.addf %mul3A_155, %get3A_158 : vector<16xf32>
          %swap3A = arith.index_cast %add3A_144 : i32 to index
          %swap3A_160 = arith.constant 0 : index
          %swap3A_161 = tpu.vector_load %arg12[%swap3A, %swap3A_160] {strides = array<i32>} : memref<125x64xf32, #tpu.memory_space<vmem>>, vector<16xf32>,
          tpu.vector_store %arg12[%swap3A, %swap3A_160], %add3A_159 {strides = array<i32>} : memref<125x64xf32, #tpu.memory_space<vmem>>, vector<16xf32>,
          %mul3A_162 = vector.broadcast %squeeze3A : f32 to vector<16xf32>
          %mul3A_163 = arith.mulf %mul3A_162, %add3A_159 : vector<16xf32>
          %swap3A_164 = arith.index_cast %add3A_144 : i32 to index
          %swap3A_165 = arith.constant 0 : index
          %swap3A_166 = tpu.vector_load %arg10[%swap3A_164, %swap3A_165] {strides = array<i32>} : memref<256x64xf32, #tpu.memory_space<vmem>>, vector<16xf32>,
          tpu.vector_store %arg10[%swap3A_164, %swap3A_165], %mul3A_163 {strides = array<i32>} : memref<256x64xf32, #tpu.memory_space<vmem>>, vector<16xf32>,
          %swap3A_167 = arith.index_cast %add3A_144 : i32 to index
          %swap3A_168 = arith.constant 0 : index
          %swap3A_169 = tpu.vector_load %arg9[%swap3A_167, %swap3A_168] {strides = array<i32>} : memref<256x64xf32, #tpu.memory_space<vmem>>, vector<16xf32>,
          tpu.vector_store %arg9[%swap3A_167, %swap3A_168], %broadcast_in_dim3A_5 {strides = array<i32>} : memref<256x64xf32, #tpu.memory_space<vmem>>, vector<16xf32>,
          %get3A_170 = arith.index_cast %add3A_144 : i32 to index
          %get3A_171 = arith.constant 16 : index
          %get3A_172 = tpu.vector_load %arg9[%get3A_170, %get3A_171] {strides = array<i32>} : memref<256x64xf32, #tpu.memory_space<vmem>>, vector<16xf32>,
          %mul3A_173 = vector.broadcast %mul3A_150 : f32 to vector<16xf32>
          %mul3A_174 = arith.mulf %mul3A_173, %get3A_172 : vector<16xf32>
          %get3A_175 = arith.index_cast %add3A_144 : i32 to index
          %get3A_176 = arith.constant 16 : index
          %get3A_177 = tpu.vector_load %arg12[%get3A_175, %get3A_176] {strides = array<i32>} : memref<125x64xf32, #tpu.memory_space<vmem>>, vector<16xf32>,
          %add3A_178 = arith.addf %mul3A_174, %get3A_177 : vector<16xf32>
          %swap3A_179 = arith.index_cast %add3A_144 : i32 to index
          %swap3A_180 = arith.constant 16 : index
          %swap3A_181 = tpu.vector_load %arg12[%swap3A_179, %swap3A_180] {strides = array<i32>} : memref<125x64xf32, #tpu.memory_space<vmem>>, vector<16xf32>,
          tpu.vector_store %arg12[%swap3A_179, %swap3A_180], %add3A_178 {strides = array<i32>} : memref<125x64xf32, #tpu.memory_space<vmem>>, vector<16xf32>,
          %mul3A_182 = vector.broadcast %squeeze3A : f32 to vector<16xf32>
          %mul3A_183 = arith.mulf %mul3A_182, %add3A_178 : vector<16xf32>
          %swap3A_184 = arith.index_cast %add3A_144 : i32 to index
          %swap3A_185 = arith.constant 16 : index
          %swap3A_186 = tpu.vector_load %arg10[%swap3A_184, %swap3A_185] {strides = array<i32>} : memref<256x64xf32, #tpu.memory_space<vmem>>, vector<16xf32>,
          tpu.vector_store %arg10[%swap3A_184, %swap3A_185], %mul3A_183 {strides = array<i32>} : memref<256x64xf32, #tpu.memory_space<vmem>>, vector<16xf32>,
          %swap3A_187 = arith.index_cast %add3A_144 : i32 to index
          %swap3A_188 = arith.constant 16 : index
          %swap3A_189 = tpu.vector_load %arg9[%swap3A_187, %swap3A_188] {strides = array<i32>} : memref<256x64xf32, #tpu.memory_space<vmem>>, vector<16xf32>,
          tpu.vector_store %arg9[%swap3A_187, %swap3A_188], %broadcast_in_dim3A_5 {strides = array<i32>} : memref<256x64xf32, #tpu.memory_space<vmem>>, vector<16xf32>,
          %get3A_190 = arith.index_cast %add3A_144 : i32 to index
          %get3A_191 = arith.constant 32 : index
          %get3A_192 = tpu.vector_load %arg9[%get3A_190, %get3A_191] {strides = array<i32>} : memref<256x64xf32, #tpu.memory_space<vmem>>, vector<16xf32>,
          %mul3A_193 = vector.broadcast %mul3A_150 : f32 to vector<16xf32>
          %mul3A_194 = arith.mulf %mul3A_193, %get3A_192 : vector<16xf32>
          %get3A_195 = arith.index_cast %add3A_144 : i32 to index
          %get3A_196 = arith.constant 32 : index
          %get3A_197 = tpu.vector_load %arg12[%get3A_195, %get3A_196] {strides = array<i32>} : memref<125x64xf32, #tpu.memory_space<vmem>>, vector<16xf32>,
          %add3A_198 = arith.addf %mul3A_194, %get3A_197 : vector<16xf32>
          %swap3A_199 = arith.index_cast %add3A_144 : i32 to index
          %swap3A_200 = arith.constant 32 : index
          %swap3A_201 = tpu.vector_load %arg12[%swap3A_199, %swap3A_200] {strides = array<i32>} : memref<125x64xf32, #tpu.memory_space<vmem>>, vector<16xf32>,
          tpu.vector_store %arg12[%swap3A_199, %swap3A_200], %add3A_198 {strides = array<i32>} : memref<125x64xf32, #tpu.memory_space<vmem>>, vector<16xf32>,
          %mul3A_202 = vector.broadcast %squeeze3A : f32 to vector<16xf32>
          %mul3A_203 = arith.mulf %mul3A_202, %add3A_198 : vector<16xf32>
          %swap3A_204 = arith.index_cast %add3A_144 : i32 to index
          %swap3A_205 = arith.constant 32 : index
          %swap3A_206 = tpu.vector_load %arg10[%swap3A_204, %swap3A_205] {strides = array<i32>} : memref<256x64xf32, #tpu.memory_space<vmem>>, vector<16xf32>,
          tpu.vector_store %arg10[%swap3A_204, %swap3A_205], %mul3A_203 {strides = array<i32>} : memref<256x64xf32, #tpu.memory_space<vmem>>, vector<16xf32>,
          %swap3A_207 = arith.index_cast %add3A_144 : i32 to index
          %swap3A_208 = arith.constant 32 : index
          %swap3A_209 = tpu.vector_load %arg9[%swap3A_207, %swap3A_208] {strides = array<i32>} : memref<256x64xf32, #tpu.memory_space<vmem>>, vector<16xf32>,
          tpu.vector_store %arg9[%swap3A_207, %swap3A_208], %broadcast_in_dim3A_5 {strides = array<i32>} : memref<256x64xf32, #tpu.memory_space<vmem>>, vector<16xf32>,
          %get3A_210 = arith.index_cast %add3A_144 : i32 to index
          %get3A_211 = arith.constant 48 : index
          %get3A_212 = tpu.vector_load %arg9[%get3A_210, %get3A_211] {strides = array<i32>} : memref<256x64xf32, #tpu.memory_space<vmem>>, vector<16xf32>,
          %mul3A_213 = vector.broadcast %mul3A_150 : f32 to vector<16xf32>
          %mul3A_214 = arith.mulf %mul3A_213, %get3A_212 : vector<16xf32>
          %get3A_215 = arith.index_cast %add3A_144 : i32 to index
          %get3A_216 = arith.constant 48 : index
          %get3A_217 = tpu.vector_load %arg12[%get3A_215, %get3A_216] {strides = array<i32>} : memref<125x64xf32, #tpu.memory_space<vmem>>, vector<16xf32>,
          %add3A_218 = arith.addf %mul3A_214, %get3A_217 : vector<16xf32>
          %swap3A_219 = arith.index_cast %add3A_144 : i32 to index
          %swap3A_220 = arith.constant 48 : index
          %swap3A_221 = tpu.vector_load %arg12[%swap3A_219, %swap3A_220] {strides = array<i32>} : memref<125x64xf32, #tpu.memory_space<vmem>>, vector<16xf32>,
          tpu.vector_store %arg12[%swap3A_219, %swap3A_220], %add3A_218 {strides = array<i32>} : memref<125x64xf32, #tpu.memory_space<vmem>>, vector<16xf32>,
          %mul3A_222 = vector.broadcast %squeeze3A : f32 to vector<16xf32>
          %mul3A_223 = arith.mulf %mul3A_222, %add3A_218 : vector<16xf32>
          %swap3A_224 = arith.index_cast %add3A_144 : i32 to index
          %swap3A_225 = arith.constant 48 : index
          %swap3A_226 = tpu.vector_load %arg10[%swap3A_224, %swap3A_225] {strides = array<i32>} : memref<256x64xf32, #tpu.memory_space<vmem>>, vector<16xf32>,
          tpu.vector_store %arg10[%swap3A_224, %swap3A_225], %mul3A_223 {strides = array<i32>} : memref<256x64xf32, #tpu.memory_space<vmem>>, vector<16xf32>,
          %swap3A_227 = arith.index_cast %add3A_144 : i32 to index
          %swap3A_228 = arith.constant 48 : index
          %swap3A_229 = tpu.vector_load %arg9[%swap3A_227, %swap3A_228] {strides = array<i32>} : memref<256x64xf32, #tpu.memory_space<vmem>>, vector<16xf32>,
          tpu.vector_store %arg9[%swap3A_227, %swap3A_228], %broadcast_in_dim3A_5 {strides = array<i32>} : memref<256x64xf32, #tpu.memory_space<vmem>>, vector<16xf32>,
        }
        %scan3A_135 = arith.constant 125 : i32
        %add3A_136 = arith.addi %mul3A_0, %add3A_129 : i32
        "tpu.region"() ({
          %run_scoped3A = tpu.sem_alloc : memref<!tpu.dma_semaphore, #tpu.memory_space<semaphore_mem>>
          %dma_start3A_140 = arith.constant 0 : i32
          %dma_start3A_141 = arith.constant 0 : i32
          %dma_start3A_142 = tpu.memref_slice %arg10[%dma_start3A_140, %dma_start3A_141] : memref<256x64xf32, #tpu.memory_space<vmem>> -> memref<125x64xf32, #tpu.memory_space<vmem>>
          %dma_start3A_143 = arith.constant 0 : i32
          %dma_start3A_144 = tpu.memref_slice %arg6[%add3A_136, %dma_start3A_143] : memref<20000x64xf32, #tpu.memory_space<hbm>> -> memref<125x64xf32, #tpu.memory_space<hbm>>
          %dma_start3A_145 = arith.constant 0 : i32
          %dma_start3A_146 = tpu.memref_slice %arg6[%add3A_136, %dma_start3A_145] : memref<20000x64xf32, #tpu.memory_space<hbm>> -> memref<125x64xf32, #tpu.memory_space<hbm>>
          %dma_start3A_147 = arith.constant 0 : i32
          %dma_start3A_148 = arith.constant 0 : i32
          %dma_start3A_149 = tpu.memref_slice %arg10[%dma_start3A_147, %dma_start3A_148] : memref<256x64xf32, #tpu.memory_space<vmem>> -> memref<125x64xf32, #tpu.memory_space<vmem>>
          tpu.enqueue_dma source(%dma_start3A_149 : memref<125x64xf32, #tpu.memory_space<vmem>>) target(%dma_start3A_146 : memref<125x64xf32, #tpu.memory_space<hbm>>) target_semaphore(%run_scoped3A : memref<!tpu.dma_semaphore, #tpu.memory_space<semaphore_mem>>)
          %dma_wait3A_150 = arith.constant 0 : i32
          %dma_wait3A_151 = arith.constant 0 : i32
          %dma_wait3A_152 = tpu.memref_slice %arg10[%dma_wait3A_150, %dma_wait3A_151] : memref<256x64xf32, #tpu.memory_space<vmem>> -> memref<125x64xf32, #tpu.memory_space<vmem>>
          %dma_wait3A_153 = arith.constant 0 : i32
          %dma_wait3A_154 = tpu.memref_slice %arg6[%add3A_136, %dma_wait3A_153] : memref<20000x64xf32, #tpu.memory_space<hbm>> -> memref<125x64xf32, #tpu.memory_space<hbm>>
          %dma_wait3A_155 = arith.constant 0 : i32
          %dma_wait3A_156 = tpu.memref_slice %arg6[%add3A_136, %dma_wait3A_155] : memref<20000x64xf32, #tpu.memory_space<hbm>> -> memref<125x64xf32, #tpu.memory_space<hbm>>
          %dma_wait3A_157 = arith.constant 0 : i32
          %dma_wait3A_158 = arith.constant 0 : i32
          %dma_wait3A_159 = tpu.memref_slice %arg10[%dma_wait3A_157, %dma_wait3A_158] : memref<256x64xf32, #tpu.memory_space<vmem>> -> memref<125x64xf32, #tpu.memory_space<vmem>>
          tpu.wait_dma2 semaphore(%run_scoped3A : memref<!tpu.dma_semaphore, #tpu.memory_space<semaphore_mem>>) src(%dma_wait3A_159 : memref<125x64xf32, #tpu.memory_space<vmem>>) dst(%dma_wait3A_156 : memref<125x64xf32, #tpu.memory_space<hbm>>)
          tpu.yield
        }) : () -> ()
        "tpu.region"() ({
          %run_scoped3A = tpu.sem_alloc : memref<!tpu.dma_semaphore, #tpu.memory_space<semaphore_mem>>
          %dma_start3A_140 = arith.constant 0 : i32
          %dma_start3A_141 = arith.constant 0 : i32
          %dma_start3A_142 = tpu.memref_slice %arg9[%dma_start3A_140, %dma_start3A_141] : memref<256x64xf32, #tpu.memory_space<vmem>> -> memref<125x64xf32, #tpu.memory_space<vmem>>
          %dma_start3A_143 = arith.constant 0 : i32
          %dma_start3A_144 = tpu.memref_slice %arg13[%add3A_129, %dma_start3A_143] : memref<10240x64xf32, #tpu.memory_space<vmem_shared>> -> memref<125x64xf32, #tpu.memory_space<vmem_shared>>
          %dma_start3A_145 = arith.constant 0 : i32
          %dma_start3A_146 = tpu.memref_slice %arg13[%add3A_129, %dma_start3A_145] : memref<10240x64xf32, #tpu.memory_space<vmem_shared>> -> memref<125x64xf32, #tpu.memory_space<vmem_shared>>
          %dma_start3A_147 = arith.constant 0 : i32
          %dma_start3A_148 = arith.constant 0 : i32
          %dma_start3A_149 = tpu.memref_slice %arg9[%dma_start3A_147, %dma_start3A_148] : memref<256x64xf32, #tpu.memory_space<vmem>> -> memref<125x64xf32, #tpu.memory_space<vmem>>
          tpu.enqueue_dma source(%dma_start3A_149 : memref<125x64xf32, #tpu.memory_space<vmem>>) target(%dma_start3A_146 : memref<125x64xf32, #tpu.memory_space<vmem_shared>>) target_semaphore(%run_scoped3A : memref<!tpu.dma_semaphore, #tpu.memory_space<semaphore_mem>>)
          %dma_wait3A_150 = arith.constant 0 : i32
          %dma_wait3A_151 = arith.constant 0 : i32
          %dma_wait3A_152 = tpu.memref_slice %arg9[%dma_wait3A_150, %dma_wait3A_151] : memref<256x64xf32, #tpu.memory_space<vmem>> -> memref<125x64xf32, #tpu.memory_space<vmem>>
          %dma_wait3A_153 = arith.constant 0 : i32
          %dma_wait3A_154 = tpu.memref_slice %arg13[%add3A_129, %dma_wait3A_153] : memref<10240x64xf32, #tpu.memory_space<vmem_shared>> -> memref<125x64xf32, #tpu.memory_space<vmem_shared>>
          %dma_wait3A_155 = arith.constant 0 : i32
          %dma_wait3A_156 = tpu.memref_slice %arg13[%add3A_129, %dma_wait3A_155] : memref<10240x64xf32, #tpu.memory_space<vmem_shared>> -> memref<125x64xf32, #tpu.memory_space<vmem_shared>>
          %dma_wait3A_157 = arith.constant 0 : i32
          %dma_wait3A_158 = arith.constant 0 : i32
          %dma_wait3A_159 = tpu.memref_slice %arg9[%dma_wait3A_157, %dma_wait3A_158] : memref<256x64xf32, #tpu.memory_space<vmem>> -> memref<125x64xf32, #tpu.memory_space<vmem>>
          tpu.wait_dma2 semaphore(%run_scoped3A : memref<!tpu.dma_semaphore, #tpu.memory_space<semaphore_mem>>) src(%dma_wait3A_159 : memref<125x64xf32, #tpu.memory_space<vmem>>) dst(%dma_wait3A_156 : memref<125x64xf32, #tpu.memory_space<vmem_shared>>)
          tpu.yield
        }) : () -> ()
        %eq3A_137 = arith.constant 49 : i32
        %eq3A_138 = arith.cmpi eq, %add3A_55, %eq3A_137 : i32
        %convert_element_type3A = arith.extui %eq3A_138 : i1 to i32
        %cond3A = arith.constant 0 : i32
        %cond3A_139 = arith.cmpi ne, %convert_element_type3A, %cond3A : i32
        scf.if %cond3A_139 {
          %add3A_140 = arith.addi %mul3A_0, %add3A_129 : i32
          "tpu.region"() ({
            %run_scoped3A = tpu.sem_alloc : memref<!tpu.dma_semaphore, #tpu.memory_space<semaphore_mem>>
            %dma_start3A_141 = arith.constant 0 : i32
            %dma_start3A_142 = tpu.memref_slice %arg5[%add3A_140, %dma_start3A_141] : memref<20000x64xf32, #tpu.memory_space<hbm>> -> memref<125x64xf32, #tpu.memory_space<hbm>>
            %dma_start3A_143 = arith.constant 0 : i32
            %dma_start3A_144 = tpu.memref_slice %arg5[%add3A_140, %dma_start3A_143] : memref<20000x64xf32, #tpu.memory_space<hbm>> -> memref<125x64xf32, #tpu.memory_space<hbm>>
            tpu.enqueue_dma source(%arg12 : memref<125x64xf32, #tpu.memory_space<vmem>>) target(%dma_start3A_144 : memref<125x64xf32, #tpu.memory_space<hbm>>) target_semaphore(%run_scoped3A : memref<!tpu.dma_semaphore, #tpu.memory_space<semaphore_mem>>)
            %dma_wait3A_145 = arith.constant 0 : i32
            %dma_wait3A_146 = tpu.memref_slice %arg5[%add3A_140, %dma_wait3A_145] : memref<20000x64xf32, #tpu.memory_space<hbm>> -> memref<125x64xf32, #tpu.memory_space<hbm>>
            %dma_wait3A_147 = arith.constant 0 : i32
            %dma_wait3A_148 = tpu.memref_slice %arg5[%add3A_140, %dma_wait3A_147] : memref<20000x64xf32, #tpu.memory_space<hbm>> -> memref<125x64xf32, #tpu.memory_space<hbm>>
            tpu.wait_dma2 semaphore(%run_scoped3A : memref<!tpu.dma_semaphore, #tpu.memory_space<semaphore_mem>>) src(%arg12 : memref<125x64xf32, #tpu.memory_space<vmem>>) dst(%dma_wait3A_148 : memref<125x64xf32, #tpu.memory_space<hbm>>)
            tpu.yield
          }) : () -> ()
        } else {
        }
      }
      %scan3A_118 = arith.constant 5 : i32
      %barrier3A_119 = arith.constant 0 : index
      tpu.barrier barrier_id(%barrier3A_119)
    }
    %scan3A_51 = arith.constant 50 : i32
    return
  }
}

module attributes {stable_mosaic.version = 14 : i64} {
  func.func @_linear_body(%arg0: i32, %arg1: memref<1000x128xf32, #tpu.memory_space<vmem>>, %arg2: memref<128x128xf32, #tpu.memory_space<vmem>>, %arg3: memref<1x128xf32, #tpu.memory_space<vmem>>, %arg4: memref<1000x64xf32, #tpu.memory_space<vmem>>, %arg5: memref<1000x64xf32, #tpu.memory_space<vmem>>) attributes {dimension_semantics = [#tpu.dimension_semantics<arbitrary>], iteration_bounds = array<i64: 10>, scalar_prefetch = 0 : i64, scratch_operands = 0 : i64, tpu.core_type = #tpu.core_type<tc>, window_params = [{transform_indices = @transform_0, window_bounds = array<i64: 1000, 128>}, {pipeline_mode = #tpu.pipeline_mode<synchronous>, transform_indices = @transform_1, window_bounds = array<i64: 128, 128>}, {pipeline_mode = #tpu.pipeline_mode<synchronous>, transform_indices = @transform_2, window_bounds = array<i64: 1, 128>}, {transform_indices = @transform_3, window_bounds = array<i64: 1000, 64>}, {transform_indices = @transform_4, window_bounds = array<i64: 1000, 64>}]} {
    %get3A = arith.constant 0 : index
    %get3A_0 = arith.constant 0 : index
    %get3A_1 = vector.load %arg1[%get3A, %get3A_0] : memref<1000x128xf32, #tpu.memory_space<vmem>>, vector<1000x128xf32>
    %get3A_2 = arith.constant 0 : index
    %get3A_3 = arith.constant 0 : index
    %get3A_4 = vector.load %arg2[%get3A_2, %get3A_3] : memref<128x128xf32, #tpu.memory_space<vmem>>, vector<128x128xf32>
    %dot_general3A = arith.constant dense<0.000000e+00> : vector<1000x128xf32>
    %dot_general3A_5 = tpu.matmul %get3A_1, %get3A_4, %dot_general3A {dimension_numbers = #tpu.dot_dimension_numbers<[1], [0], [0], [1], [0, 0, 1, 1], [], []>, transpose_lhs_hint = false} : vector<1000x128xf32>, vector<128x128xf32>, vector<1000x128xf32> -> vector<1000x128xf32>
    %get3A_6 = arith.constant 0 : index
    %get3A_7 = arith.constant 0 : index
    %get3A_8 = vector.load %arg3[%get3A_6, %get3A_7] : memref<1x128xf32, #tpu.memory_space<vmem>>, vector<1x128xf32>
    %add3A = vector.broadcast %get3A_8 : vector<1x128xf32> to vector<1000x128xf32>
    %add3A_9 = arith.addf %dot_general3A_5, %add3A : vector<1000x128xf32>
    %max3A = arith.constant 0.000000e+00 : f32
    %max3A_10 = vector.broadcast %max3A : f32 to vector<1000x128xf32>
    %max3A_11 = arith.maximumf %add3A_9, %max3A_10 : vector<1000x128xf32>
    %mul3A = arith.constant 1.000000e-01 : f32
    %mul3A_12 = vector.broadcast %mul3A : f32 to vector<1000x128xf32>
    %mul3A_13 = arith.mulf %mul3A_12, %max3A_11 : vector<1000x128xf32>
    %slice3A = vector.extract_strided_slice %mul3A_13 {offsets = [0, 0], sizes = [1000, 64], strides = [1, 1]} : vector<1000x128xf32> to vector<1000x64xf32>
    %swap3A = arith.constant 0 : index
    %swap3A_14 = arith.constant 0 : index
    %swap3A_15 = vector.load %arg4[%swap3A, %swap3A_14] : memref<1000x64xf32, #tpu.memory_space<vmem>>, vector<1000x64xf32>
    tpu.vector_store %arg4[%swap3A, %swap3A_14], %slice3A {strides = array<i32>} : memref<1000x64xf32, #tpu.memory_space<vmem>>, vector<1000x64xf32>,
    %slice3A_16 = vector.extract_strided_slice %mul3A_13 {offsets = [0, 64], sizes = [1000, 64], strides = [1, 1]} : vector<1000x128xf32> to vector<1000x64xf32>
    %swap3A_17 = arith.constant 0 : index
    %swap3A_18 = arith.constant 0 : index
    %swap3A_19 = vector.load %arg5[%swap3A_17, %swap3A_18] : memref<1000x64xf32, #tpu.memory_space<vmem>>, vector<1000x64xf32>
    tpu.vector_store %arg5[%swap3A_17, %swap3A_18], %slice3A_16 {strides = array<i32>} : memref<1000x64xf32, #tpu.memory_space<vmem>>, vector<1000x64xf32>,
    return
  }
  func.func @transform_0(%arg0: i32) -> (i32, i32) {
    %c0_i32 = arith.constant 0 : i32
    %c0_i32_0 = arith.constant 0 : i32
    return %arg0, %c0_i32 : i32, i32
  }
  func.func @transform_1(%arg0: i32) -> (i32, i32) {
    %c0_i32 = arith.constant 0 : i32
    %c0_i32_0 = arith.constant 0 : i32
    %c0_i32_1 = arith.constant 0 : i32
    return %c0_i32, %c0_i32_0 : i32, i32
  }
  func.func @transform_2(%arg0: i32) -> (i32, i32) {
    %c0_i32 = arith.constant 0 : i32
    %c0_i32_0 = arith.constant 0 : i32
    %c0_i32_1 = arith.constant 0 : i32
    return %c0_i32, %c0_i32_0 : i32, i32
  }
  func.func @transform_3(%arg0: i32) -> (i32, i32) {
    %c0_i32 = arith.constant 0 : i32
    %c0_i32_0 = arith.constant 0 : i32
    return %arg0, %c0_i32 : i32, i32
  }
  func.func @transform_4(%arg0: i32) -> (i32, i32) {
    %c0_i32 = arith.constant 0 : i32
    %c0_i32_0 = arith.constant 0 : i32
    return %arg0, %c0_i32 : i32, i32
  }
}

module attributes {stable_mosaic.version = 14 : i64} {
  func.func @_lsm_body(%arg0: i32, %arg1: memref<1000x64xf32, #tpu.memory_space<vmem>>, %arg2: memref<1000x64xf32, #tpu.memory_space<vmem>>, %arg3: memref<1000x128xf32, #tpu.memory_space<vmem>>) attributes {dimension_semantics = [#tpu.dimension_semantics<arbitrary>], iteration_bounds = array<i64: 10>, scalar_prefetch = 0 : i64, scratch_operands = 0 : i64, tpu.core_type = #tpu.core_type<tc>, window_params = [{transform_indices = @transform_0, window_bounds = array<i64: 1000, 64>}, {transform_indices = @transform_1, window_bounds = array<i64: 1000, 64>}, {transform_indices = @transform_2, window_bounds = array<i64: 1000, 128>}]} {
    %get3A = arith.constant 0 : index
    %get3A_0 = arith.constant 0 : index
    %get3A_1 = vector.load %arg1[%get3A, %get3A_0] : memref<1000x64xf32, #tpu.memory_space<vmem>>, vector<1000x64xf32>
    %get3A_2 = arith.constant 0 : index
    %get3A_3 = arith.constant 0 : index
    %get3A_4 = vector.load %arg2[%get3A_2, %get3A_3] : memref<1000x64xf32, #tpu.memory_space<vmem>>, vector<1000x64xf32>
    %concatenate3A = tpu.concatenate %get3A_1, %get3A_4 in 1 : vector<1000x64xf32>, vector<1000x64xf32> -> vector<1000x128xf32>
    %reduce_max3A = arith.constant dense<0xFF800000> : vector<1000xf32>
    %reduce_max3A_5 = vector.multi_reduction <maximumf>, %concatenate3A, %reduce_max3A [1] : vector<1000x128xf32> to vector<1000xf32>
    %broadcast_in_dim3A = vector.shape_cast %reduce_max3A_5 : vector<1000xf32> to vector<1000x1xf32>
    %sub3A = vector.broadcast %broadcast_in_dim3A : vector<1000x1xf32> to vector<1000x128xf32>
    %sub3A_6 = arith.subf %concatenate3A, %sub3A : vector<1000x128xf32>
    %exp3A = math.exp %sub3A_6 : vector<1000x128xf32>
    %reduce_sum3A = arith.constant dense<0.000000e+00> : vector<1000xf32>
    %reduce_sum3A_7 = vector.multi_reduction <add>, %exp3A, %reduce_sum3A [1] : vector<1000x128xf32> to vector<1000xf32>
    %broadcast_in_dim3A_8 = vector.shape_cast %reduce_sum3A_7 : vector<1000xf32> to vector<1000x1xf32>
    %log3A = math.log %broadcast_in_dim3A_8 : vector<1000x1xf32>
    %add3A = arith.addf %log3A, %broadcast_in_dim3A : vector<1000x1xf32>
    %sub3A_9 = vector.broadcast %add3A : vector<1000x1xf32> to vector<1000x128xf32>
    %sub3A_10 = arith.subf %concatenate3A, %sub3A_9 : vector<1000x128xf32>
    %swap3A = arith.constant 0 : index
    %swap3A_11 = arith.constant 0 : index
    %swap3A_12 = vector.load %arg3[%swap3A, %swap3A_11] : memref<1000x128xf32, #tpu.memory_space<vmem>>, vector<1000x128xf32>
    tpu.vector_store %arg3[%swap3A, %swap3A_11], %sub3A_10 {strides = array<i32>} : memref<1000x128xf32, #tpu.memory_space<vmem>>, vector<1000x128xf32>,
    return
  }
  func.func @transform_0(%arg0: i32) -> (i32, i32) {
    %c0_i32 = arith.constant 0 : i32
    %c0_i32_0 = arith.constant 0 : i32
    return %arg0, %c0_i32 : i32, i32
  }
  func.func @transform_1(%arg0: i32) -> (i32, i32) {
    %c0_i32 = arith.constant 0 : i32
    %c0_i32_0 = arith.constant 0 : i32
    return %arg0, %c0_i32 : i32, i32
  }
  func.func @transform_2(%arg0: i32) -> (i32, i32) {
    %c0_i32 = arith.constant 0 : i32
    %c0_i32_0 = arith.constant 0 : i32
    return %arg0, %c0_i32 : i32, i32
  }
}

</mosaic_0001>

<sc_bundles>
// kernel: kernel.5.cloned.1.call-start
scs
__scs_entry_jumppad:
0x0: {  	(pc) =	sbr.rel $0x88, $3  }
0x1: {  	(tag) =	ssettag $0x0;
	lr =	simm.s32 $0x1  }
0x2: {  	[smem:$0x3F9D] =	sst lr;
	_ =	strace $0xD0000000  }
0x3: {  	_ = 	snop  }
0x4: {  	_ = 	snop  }
0x5: {  	_ = 	snop  }
0x6: {  	_ = 	snop  }
0x7: {  	_ = 	snop  }
__scs_overlays_trampoline_lowered:
0x8: {  	[smem:$0x3FAC] =	sst s0  }
0x9: {  	[smem:$0x3FAD] =	sst s1  }
0xa: {  	[smem:$0x3FAE] =	sst s2  }
0xb: {  	[smem:$0x3FAF] =	sst s3  }
0xc: {  	[smem:$0x3FB0] =	sst s4  }
0xd: {  	[smem:$0x3FB1] =	sst s5  }
0xe: {  	[smem:$0x3FB2] =	sst s6  }
0xf: {  	[smem:$0x3FB3] =	sst s7  }
0x10: {  	[smem:$0x3FB4] =	sst s8  }
0x11: {  	[smem:$0x3FB5] =	sst s9;
	s0 =	simm.s32 @!p0 $0x0  }
0x12: {  	s1 =	sld [smem:$0x3F9B];
	s0 =	simm.s32 @p0 $0x1  }
0x13: {  	[smem:$0x3FB6] =	sst s0;
	s0 =	simm.s32 @!p1 $0x0  }
0x14: {  	s2 =	sld [smem:$0x3F9A];
	s0 =	simm.s32 @p1 $0x1  }
0x15: {  	[smem:$0x3FB7] =	sst s0;
	s0 =	simm.s32 @!p2 $0x0  }
0x16: {  	s3 =	sld [smem:$0x3FDB];
	s0 =	simm.s32 @p2 $0x1  }
0x17: {  	s4 =	simm.s32 $0x1BF5;
	[smem:$0x3FB9] =	sst s0  }
0x18: {  	s0 =	sld [smem:$0x3F9C];
	_ =	swait.ge [sflag:s4], $0x0  }
0x19: {  	s7 =	sld [smem:$0x3F9D]  }
0x1a: {  	s8 =	sadd.s32 $0xFFFFE003, lr  }
0x1b: {  	s9 =	sadd.s32 $0xFFFFFEF7, lr;
	s5 =	simm.s32 $0xFFFFFFFF;
	p2 =	slt.u32 s8, $0xFFFFF086  }
0x1c: {  	p1 =	slt.u32 s9, $0xF7A;
	s5 =	simm.s32 @!p2 $0x0  }
0x1d: {  	s5 =	simm.s32 @p1 $0x1;
	p0 =	seq.s32 s7, s2  }
0x1e: {  	s7 =	smul.u32 @!p0 $0xF7A, s2;
	p2 =	seq.s32 @!p0 s5, $0x0  }
0x1f: {  	s9 =	smul.u32 $0xF7A, s1;
	s8 =	simm.s32 @!p0 $0x1BF5;
	p2 =	por !p2, p0  }
0x20: {  	[sflag:s8] =	ssyncset.s32 @!p0 $0xFFFFF086;
	s6 =	sadd.s32 @!p0 s3, s7;
	s7 =	simm.s32 @!p0 $0x108  }
0x21: {  	s3 =	sadd.s32 s3, s9;
	s6 =	sadd.s32 @!p0 $0x88, s6;
	s7 =	simm.s32 @p2 $0x1082  }
0x22: {  	[simem:s7], [sflag:s8] =	dma.local @!p0 [hbm:s6], $0xF7A  }
0x23: {  	s9 =	sor.u32 $0xD0000000, s2;
	s6 =	simm.s32 $0x108;
	_ =	swait.ge @!p0 [sflag:s8], $0x0  }
0x24: {  	s3 =	sadd.s32 $0x88, s3;
	s6 =	simm.s32 @!p1 $0x1082;
	[sflag:s4] =	ssyncset.s32 $0xFFFFF086  }
0x25: {  	[simem:s6], [sflag:s4] =	dma.local [hbm:s3], $0xF7A  }
0x26: {  	[smem:$0x3F9D] =	sst s1;
	(tag) =	ssettag s2;
	_ =	strace s9  }
0x27: {  	s1 =	sld [smem:$0x3FAD]  }
0x28: {  	s2 =	sld [smem:$0x3FAE]  }
0x29: {  	s4 =	sld [smem:$0x3FB0]  }
0x2a: {  	p0 =	seq.s32 s5, $0x0;
	s5 =	sld [smem:$0x3FB1]  }
0x2b: {  	s6 =	sld [smem:$0x3FB2]  }
0x2c: {  	s7 =	sld [smem:$0x3FB3]  }
0x2d: {  	s3 =	simm.s32 $0x108;
	s8 =	sld [smem:$0x3FB4]  }
0x2e: {  	s3 =	simm.s32 @!p0 $0x1082;
	s9 =	sld [smem:$0x3FB5]  }
0x2f: {  	lr =	sadd.s32 s0, s3;
	s0 =	sld [smem:$0x3FAC]  }
0x30: {  	s3 =	sld [smem:$0x3FAF]  }
0x31: {  	[smem:$0x3FB8] =	sst s10  }
0x32: {  	s10 =	sld [smem:$0x3FB6];
	_ =	sdelay $0x3  }
0x33: {  	p0 =	seq.s32 s10, $0x1;
	s10 =	sld [smem:$0x3FB8];
	_ =	sdelay $0x3  }
0x34: {  	[smem:$0x3FB8] =	sst s10  }
0x35: {  	s10 =	sld [smem:$0x3FB7];
	_ =	sdelay $0x3  }
0x36: {  	p1 =	seq.s32 s10, $0x1;
	s10 =	sld [smem:$0x3FB8];
	_ =	sdelay $0x3  }
0x37: {  	[smem:$0x3FB8] =	sst s10  }
0x38: {  	s10 =	sld [smem:$0x3FB9]  }
0x39: {  	_ = 	snop;
	(pc) =	sbr.ind lr, $3  }
0x3a: {  	_ = 	snop  }
0x3b: {  	_ = 	snop  }
0x3c: {  	p2 =	seq.s32 s10, $0x1;
	s10 =	sld [smem:$0x3FB8]  }
0x3d: {  	_ =	shalt  }
0x3e: {  	_ =	shalt  }
0x3f: {  	_ =	shalt  }
0x40: {  	_ =	shalt  }
0x41: {  	_ =	shalt  }
0x42: {  	_ =	shalt  }
0x43: {  	_ =	shalt  }
0x44: {  	_ =	shalt  }
0x45: {  	_ =	shalt  }
0x46: {  	_ =	shalt  }
0x47: {  	_ =	shalt  }
0x48: {  	_ =	shalt  }
0x49: {  	_ =	shalt  }
0x4a: {  	_ =	shalt  }
0x4b: {  	_ =	shalt  }
0x4c: {  	_ =	shalt  }
0x4d: {  	_ =	shalt  }
0x4e: {  	_ =	shalt  }
0x4f: {  	_ =	shalt  }
0x50: {  	_ =	shalt  }
0x51: {  	_ =	shalt  }
0x52: {  	_ =	shalt  }
0x53: {  	_ =	shalt  }
0x54: {  	_ =	shalt  }
0x55: {  	_ =	shalt  }
0x56: {  	_ =	shalt  }
0x57: {  	_ =	shalt  }
0x58: {  	_ =	shalt  }
0x59: {  	_ =	shalt  }
0x5a: {  	_ =	shalt  }
0x5b: {  	_ =	shalt  }
0x5c: {  	_ =	shalt  }
0x5d: {  	_ =	shalt  }
0x5e: {  	_ =	shalt  }
0x5f: {  	_ =	shalt  }
0x60: {  	_ =	shalt  }
0x61: {  	_ =	shalt  }
0x62: {  	_ =	shalt  }
0x63: {  	_ =	shalt  }
0x64: {  	_ =	shalt  }
0x65: {  	_ =	shalt  }
0x66: {  	_ =	shalt  }
0x67: {  	_ =	shalt  }
0x68: {  	_ =	shalt  }
0x69: {  	_ =	shalt  }
0x6a: {  	_ =	shalt  }
0x6b: {  	_ =	shalt  }
0x6c: {  	_ =	shalt  }
0x6d: {  	_ =	shalt  }
0x6e: {  	_ =	shalt  }
0x6f: {  	_ =	shalt  }
0x70: {  	_ =	shalt  }
0x71: {  	_ =	shalt  }
0x72: {  	_ =	shalt  }
0x73: {  	_ =	shalt  }
0x74: {  	_ =	shalt  }
0x75: {  	_ =	shalt  }
0x76: {  	_ =	shalt  }
0x77: {  	_ =	shalt  }
0x78: {  	_ =	shalt  }
0x79: {  	_ =	shalt  }
0x7a: {  	_ =	shalt  }
0x7b: {  	_ =	shalt  }
0x7c: {  	_ =	shalt  }
0x7d: {  	_ =	shalt  }
0x7e: {  	_ =	shalt  }
0x7f: {  	_ =	shalt  }
0x80: {  	_ =	shalt  }
0x81: {  	_ =	shalt  }
0x82: {  	_ =	shalt  }
0x83: {  	_ =	shalt  }
0x84: {  	_ =	shalt  }
0x85: {  	_ =	shalt  }
0x86: {  	_ =	shalt  }
0x87: {  	_ =	shalt  }
.Lfunc_end0:
.L_simem_size_0:
called_computation_lowered:
.L_overlay_start_0:
0x88: {  	s2 =	sld [smem:$0x3FD9]  }
0x89: {  	s3 =	sld [smem:$0x3FFE];
	_ =	sdelay $0x1  }
0x8a: {  	s1 =	srdreg.scid  }
0x8b: {  	s0 =	sand.u32 $0x1, s1  }
0x8c: {  	s17 =	sshll.u32 s0, $0xA;
	s2 =	sadd.s32 s3, s2  }
0x8d: {  	s2 =	sadd.s32 s2, s17  }
0x8e: {  	[smem:$0x3FC4] =	sst s2  }
0x8f: {  	_ = 	snop  }
0x90: {  	s2 =	sld [smem:$0x3FD0];
	(tm) =	ssettm $0x1  }
0x91: {  	s18 =	sld [smem:$0x3FFB];
	_ =	sdelay $0x3  }
0x92: {  	_ =	strace s18  }
0x93: {  	s3 =	sld [smem:$0x3FFC];
	_ =	sdelay $0x3  }
0x94: {  	_ =	strace s3  }
0x95: {  	s3 =	sld [smem:$0x3FFD];
	_ =	sdelay $0x3  }
0x96: {  	_ =	strace s3  }
0x97: {  	_ =	strace $0x8FFFFFFF  }
0x98: {  	s19 =	sld [smem:$0x3FDB];
	_ =	sdelay $0x1  }
0x99: {  	s4 =	simm.s32 $_scs_section_size  }
0x9a: {  	s5 =	simm.s32 $_size__tile_overlayer_lowered;
	s6 =	simm.s32 $_tile_overlayer_lowered  }
0x9b: {  	s22 =	simm.s32 $0x1BFF;
	s21 =	sshll.u32 s6, $0x1;
	s3 =	sadd.s32 s4, s19  }
0x9c: {  	s7 =	simm.s32 $0x0;
	s20 =	sshll.u32 s5, $0x1;
	s5 =	sadd.s32 s21, s3  }
0x9d: {  	[timem:s7], [sflag:s22] =	dma.local [hbm:s5], s20  }
0x9e: {  	_ =	swait.ge [sflag:s22], s20  }
0x9f: {  	s4 =	ssub.s32 $0x0, s20;
	[sflag:s22] =	ssyncset.done $0x0  }
0xa0: {  	[sflag:s22] =	ssyncadd.s32 s4;
	_ =	sdelay $0x1  }
0xa1: {  	s23 =	simm.s32 $0x1B8B  }
0xa2: {  	_ =	swait.ge [sflag:s23], $0x1  }
0xa3: {  	[sflag:s23] =	ssyncset.done $0x0  }
0xa4: {  	s25 =	simm.s32 $0x1B8E;
	s24 =	sld [smem:$0x3FFE];
	[sflag:s23] =	ssyncadd.s32 $0xFFFFFFFF  }
0xa5: {  	s26 =	simm.s32 $execute0_lowered;
	[smem:$0x3FD2] =	sst s25  }
0xa6: {  	s5 =	sshll.u32 s26, $0x1;
	_ =	strace $0x80000046;
	[dreg:$0x1] =	wrdreg $0xFFFFFFFF  }
0xa7: {  	s28 =	simm.s32 $_size_execute0_lowered;
	s3 =	sadd.s32 s3, s5;
	[dreg:$0x0] =	wrdreg $0x0  }
0xa8: {  	s5 =	sshll.u32 s28, $0x1;
	[dreg:$0x2] =	wrdreg s3  }
0xa9: {  	[dreg:$0x3] =	wrdreg s5  }
0xaa: {  	[dreg:$0x4] =	wrdreg $0xC0  }
0xab: {  	_ =	task [dreg:s7], $0x5FFFF  }
0xac: {  	[dreg:$0x1] =	wrdreg $0xFFFFFFFF  }
0xad: {  	[dreg:$0x0] =	wrdreg $0x60  }
0xae: {  	[dreg:$0x2] =	wrdreg s2  }
0xaf: {  	[dreg:$0x3] =	wrdreg s24  }
0xb0: {  	[dreg:$0x4] =	wrdreg $0x145C00  }
0xb1: {  	[dreg:$0x5] =	wrdreg $0x9  }
0xb2: {  	_ =	task.clear_ibuf [dreg:s7], $0x6FFFF;
	_ =	strace $0x90000046  }
0xb3: {  	s29 =	simm.s32 $0x9;
	_ =	strace $0x80000048  }
0xb4: {  	_ =	swait.ge [sflag:s29], $0x1  }
0xb5: {  	[sflag:s29] =	ssyncadd.s32 $0xFFFFFFFF  }
0xb6: {  	_ =	strace $0x90000048  }
0xb7: {  	_ =	sfence  }
0xb8: {  	s30 =	sld [smem:$0x0];
	_ =	sdelay $0x2  }
0xb9: {  	s31 =	sshll.u32 s1, $0xD;
	s1 =	sshrl.u32 s1, $0x2  }
0xba: {  	s3 =	sand.u32 $0x4000, s31;
	s1 =	sadd.s32 s1, s30  }
0xbb: {  	s0 =	sor.u32 s3, s0;
	s1 =	sshll.u32 s1, $0x11  }
0xbc: {  	s0 =	sor.u32 s1, s0  }
0xbd: {  	s0 =	sadd.s32 $0x8F2B, s0  }
0xbe: {  	[sflag:s0] =	ssyncadd.remote.s32 $0x1  }
0xbf: {  	_ =	sfence.sel $0xFFFF  }
0xc0: {  	[dreg:$0x0] =	wrdreg $0xFFFFFFFF;
	(pc) =	sbr.abs _section_cstart, $3  }
0xc1: {  	[dreg:$0x1] =	wrdreg $0xFFFFFFFF  }
0xc2: {  	_ =	task.clear_ibuf [dreg:s7], $0x2FFFF;
	_ =	strace $0x9FFFFFFF  }
0xc3: {  	(tm) =	ssettm $0x7FFFFFFF  }
tec
execute0_lowered:
.L_overlay_start_1:
0x0: {  	(tag) =	ssettag $0x1  }
0x1: {  	s2 =	rddreg [dreg:$0x0]  }
0x2: {  	s0 =	rddreg [dreg:$0x1]  }
0x3: {  	s3 =	rddreg [dreg:$0x2];
	s8 =	stileid.u32  }
0x4: {  	s4 =	simm.s32 $0x0;
	s5 =	srdreg.scid;
	s18 =	simm.s32 $0x5  }
0x5: {  	s20 =	simm.s32 $0xA400;
	s21 =	simm.s32 $0x80;
	s22 =	simm.s32 $0xE400  }
0x6: {  	s28 =	simm.s32 $0x3;
	s29 =	simm.s32 $0x2;
	s1 =	smul.u32 $0xA40, s8  }
0x7: {  	s30 =	simm.s32 $0x10400;
	[smem:$0x7FF] =	sst s4;
	s10 =	smul.u32 $0x28000, s8  }
0x8: {  	s7 =	sand.u32 $0x1, s5;
	s6 =	sadd.s32 $0x3C600, s0;
	s8 =	smul.u32 $0x271, s8  }
0x9: {  	_ =	strace $0x80000047;
	s5 =	smul.u32 $0x2710, s7;
	s1 =	sadd.s32 s1, s0  }
0xa: {  	s9 =	ssub.s32 $0x2, s7;
	s7 =	sadd.s32 $0x15400, s0;
	s24 =	sadd.s32 $0xB000, s1  }
0xb: {  	s25 =	sshrl.u32 s10, $0x2;
	s1 =	sadd.s32 $0xC00, s1;
	[dreg:$0x4] =	wrdreg s24  }
0xc: {  	s23 =	sshrl.u32 s9, $0x1;
	s12 =	sadd.s32 s25, s3;
	[dreg:$0x5] =	wrdreg s1  }
0xd: {  	s0 =	ssub.s32 s9, s23;
	s16 =	sadd.s32 s8, s5;
	[dreg:$0x6] =	wrdreg s12  }
0xe: {  	s31 =	simm.s32 $0x4;
	s0 =	smax.u32 s0, $0x1;
	[dreg:$0x7] =	wrdreg s16  }
0xf: {  	s10 =	simm.s32 $0x6;
	s26 =	sadd.s32 $0x8000, s12;
	[dreg:$0x8] =	wrdreg s0  }
0x10: {  	s23 =	simm.s32 $0x12680;
	s13 =	sadd.s32 $0x2000, s12;
	[dreg:$0xc] =	wrdreg s26  }
0x11: {  	s25 =	simm.s32 $0x1;
	s17 =	sadd.s32 $0x4000, s12;
	[dreg:$0x9] =	wrdreg s13  }
0x12: {  	v0 =	vimm.f32 $0.0e+00;
	vm0 =	vcmask $0x300;
	v3 =	vlaneseq.u32;
	s19 =	sadd.s32 $0x6000, s12;
	s24 =	simm.s32 $0x100;
	[dreg:$0xa] =	wrdreg s17  }
0x13: {  	v2 =	vsel vm0, $0x3F800000, v0;
	v3 =	vmul.u32 $0x40, v3;
	v1 =	vmov s5;
	s1 =	simm.s32 $0x0;
	s26 =	simm.s32 $0xC400;
	[dreg:$0xb] =	wrdreg s19  }
.LBB2_1:
0x14: {  	[dreg:$0xd] =	wrdreg s1  }
0x15: {  	s0 =	rddreg [dreg:$0x4]  }
0x16: {  	[tilespmem:s4], [sflag:$0x5] =	stream.linear.gather [hbm4b:s0+s4], $0x5200, $0x38;
	[tilespmem:$0x1E5C0] =	vst v63  }
0x17: {  	_ =	swait.ge [sflag:s18], $0x5200  }
0x18: {  	[sflag:s18] =	ssyncset.done $0x0  }
0x19: {  	s15 =	simm.s32 $0x5200;
	s14 =	rddreg [dreg:$0x5];
	[sflag:s18] =	ssyncadd.s32 $0xFFFFAE00  }
0x1a: {  	[tilespmem:s15], [sflag:$0x5] =	stream.linear.gather [hbm4b:s14+s4], $0x5200, $0x38;
	[tilespmem:$0x1E5C0] =	vst v63  }
0x1b: {  	_ =	swait.ge [sflag:s18], $0x5200  }
0x1c: {  	[sflag:s18] =	ssyncset.done $0x0  }
0x1d: {  	s0 =	simm.s32 $0x0;
	[sflag:s18] =	ssyncadd.s32 $0xFFFFAE00  }
0x1e: {  	v4 =	vld [tilespmem:s0+$0x0]  }
0x1f: {  	v5 =	vld [tilespmem:s0+$0x10]  }
0x20: {  	v6 =	vld [tilespmem:s0+$0x20]  }
0x21: {  	v7 =	vld [tilespmem:s0+$0x30]  }
0x22: {  	v8 =	vld [tilespmem:s0+$0x40]  }
0x23: {  	v9 =	vld [tilespmem:s0+$0x50];
	v4 =	vadd.s32 v1, v4  }
0x24: {  	v10 =	vld [tilespmem:s0+$0x60];
	[tilespmem:s0+$0x0] =	vst v4;
	v4 =	vadd.s32 v1, v5  }
0x25: {  	[tilespmem:s0+$0x10] =	vst v4;
	v4 =	vadd.s32 v1, v6;
	v6 =	vld [tilespmem:s0+$0x70]  }
0x26: {  	[tilespmem:s0+$0x20] =	vst v4;
	v4 =	vadd.s32 v1, v7;
	v7 =	vld [tilespmem:s0+$0x80]  }
0x27: {  	[tilespmem:s0+$0x30] =	vst v4;
	v4 =	vadd.s32 v1, v8;
	v8 =	vld [tilespmem:s0+$0x90]  }
0x28: {  	v5 =	vld [tilespmem:s0+$0xA0];
	[tilespmem:s0+$0x40] =	vst v4;
	v4 =	vadd.s32 v1, v9  }
0x29: {  	v9 =	vadd.s32 v1, v10;
	[tilespmem:s0+$0x50] =	vst v4;
	v4 =	vld [tilespmem:s0+$0xB0]  }
0x2a: {  	[tilespmem:s0+$0x60] =	vst v9;
	v9 =	vadd.s32 v1, v6;
	v6 =	vld [tilespmem:s0+$0xC0]  }
0x2b: {  	[tilespmem:s0+$0x70] =	vst v9;
	v9 =	vadd.s32 v1, v7;
	v7 =	vld [tilespmem:s0+$0xD0]  }
0x2c: {  	s1 =	simm.s32 $0x400;
	[tilespmem:s0+$0x80] =	vst v9;
	v9 =	vadd.s32 v1, v8;
	v8 =	vld [tilespmem:s0+$0xE0]  }
.LBB2_2:
0x2d: {  	s9 =	sshra.s32 s1, $0x2;
	p0 =	sne.s32 s1, $0x14400;
	[tilespmem:s0+$0x90] =	vst v9;
	v5 =	vadd.s32 v1, v5;
	v9 =	vld [tilespmem:s0+$0xF0]  }
0x2e: {  	v10 =	vld [tilespmem:s9+$0x0];
	[tilespmem:s0+$0xA0] =	vst v5;
	v4 =	vadd.s32 v1, v4  }
0x2f: {  	v5 =	vld [tilespmem:s9+$0x10];
	[tilespmem:s0+$0xB0] =	vst v4;
	v4 =	vadd.s32 v1, v6  }
0x30: {  	v6 =	vld [tilespmem:s9+$0x20];
	[tilespmem:s0+$0xC0] =	vst v4;
	v4 =	vadd.s32 v1, v7  }
0x31: {  	v7 =	vld [tilespmem:s9+$0x30];
	[tilespmem:s0+$0xD0] =	vst v4;
	v4 =	vadd.s32 v1, v8  }
0x32: {  	v8 =	vld [tilespmem:s9+$0x40];
	[tilespmem:s0+$0xE0] =	vst v4;
	v4 =	vadd.s32 v1, v9  }
0x33: {  	v9 =	vadd.s32 v1, v10;
	v10 =	vld [tilespmem:s9+$0x50];
	[tilespmem:s0+$0xF0] =	vst v4;
	s0 =	smov.u32 s9  }
0x34: {  	[tilespmem:s0+$0x0] =	vst v9;
	v4 =	vadd.s32 v1, v5;
	v9 =	vld [tilespmem:s0+$0x60]  }
0x35: {  	[tilespmem:s0+$0x10] =	vst v4;
	v4 =	vadd.s32 v1, v6;
	v6 =	vld [tilespmem:s0+$0x70]  }
0x36: {  	[tilespmem:s0+$0x20] =	vst v4;
	v4 =	vadd.s32 v1, v7;
	v7 =	vld [tilespmem:s0+$0x80]  }
0x37: {  	[tilespmem:s0+$0x30] =	vst v4;
	v4 =	vadd.s32 v1, v8;
	v8 =	vld [tilespmem:s0+$0x90]  }
.Ltmp0:
0x38: {  	[tilespmem:s0+$0x40] =	vst v4;
	v4 =	vadd.s32 v1, v10;
	v5 =	vld [tilespmem:s0+$0xA0];
	(pc) =	sbr.rel @p0 .LBB2_2-.Ltmp0, $4  }
0x39: {  	[tilespmem:s0+$0x50] =	vst v4;
	v9 =	vadd.s32 v1, v9;
	v4 =	vld [tilespmem:s0+$0xB0]  }
0x3a: {  	[tilespmem:s0+$0x60] =	vst v9;
	v9 =	vadd.s32 v1, v6;
	v6 =	vld [tilespmem:s0+$0xC0]  }
0x3b: {  	[tilespmem:s0+$0x70] =	vst v9;
	v9 =	vadd.s32 v1, v7;
	v7 =	vld [tilespmem:s0+$0xD0]  }
0x3c: {  	s1 =	sadd.s32 $0x400, s1;
	[tilespmem:s0+$0x80] =	vst v9;
	v9 =	vadd.s32 v1, v8;
	v8 =	vld [tilespmem:s0+$0xE0]  }
0x3d: {  	[tilespmem:s0+$0x90] =	vst v9;
	v5 =	vadd.s32 v1, v5;
	v63 =	vld [tilespmem:s0+$0xF0]  }
0x3e: {  	[tilespmem:s0+$0xA0] =	vst v5;
	v4 =	vadd.s32 v1, v4  }
0x3f: {  	[tilespmem:s0+$0xB0] =	vst v4;
	v4 =	vadd.s32 v1, v6  }
0x40: {  	[tilespmem:s0+$0xC0] =	vst v4;
	v4 =	vadd.s32 v1, v7  }
0x41: {  	[tilespmem:s0+$0xD0] =	vst v4;
	v4 =	vadd.s32 v1, v8  }
0x42: {  	[tilespmem:s0+$0xE0] =	vst v4;
	v4 =	vadd.s32 v1, v63  }
0x43: {  	s1 =	simm.s32 $0x100;
	[tilespmem:s0+$0xF0] =	vst v4;
	s0 =	simm.s32 $0x0  }
.LBB2_4:
0x44: {  	p0 =	sne.s32 s1, $0xFF00;
	[tilespmem:s0+$0xE430] =	vst v0  }
0x45: {  	[tilespmem:s0+$0xA400] =	vst v0  }
0x46: {  	[tilespmem:s0+$0xE400] =	vst v2  }
.Ltmp1:
0x47: {  	[tilespmem:s0+$0xA410] =	vst v0;
	(pc) =	sbr.rel @p0 .LBB2_4-.Ltmp1, $4  }
0x48: {  	[tilespmem:s0+$0xE410] =	vst v0  }
0x49: {  	[tilespmem:s0+$0xA420] =	vst v0  }
0x4a: {  	[tilespmem:s0+$0xE420] =	vst v0  }
0x4b: {  	[tilespmem:s0+$0xA430] =	vst v0;
	s0 =	sshra.s32 s1, $0x2;
	s1 =	sadd.s32 $0x100, s1  }
0x4c: {  	[tilespmem:s0+$0xE430] =	vst v0  }
0x4d: {  	[tilespmem:s0+$0xA400] =	vst v0  }
0x4e: {  	[tilespmem:s0+$0xE400] =	vst v2  }
0x4f: {  	[tilespmem:s0+$0xA410] =	vst v0  }
0x50: {  	[tilespmem:s0+$0xE410] =	vst v0  }
0x51: {  	[tilespmem:s0+$0xA420] =	vst v0  }
0x52: {  	[tilespmem:s0+$0xE420] =	vst v0  }
0x53: {  	[tilespmem:s0+$0xA430] =	vst v0  }
0x54: {  	[spmem:s12] =	stream.linear.scatter [tilespmem:s20], [sflag:$0x5], $0x2000, $0x38;
	[tilespmem:$0x1E5C0] =	vst v63  }
0x55: {  	_ =	swait.ge [sflag:s18], $0x2000  }
0x56: {  	[sflag:s18] =	ssyncset.done $0x0  }
0x57: {  	[sflag:s18] =	ssyncadd.s32 $0xFFFFE000  }
0x58: {  	[spmem:s13] =	stream.linear.scatter [tilespmem:s20], [sflag:$0x5], $0x2000, $0x38;
	[tilespmem:$0x1E5C0] =	vst v63  }
0x59: {  	_ =	swait.ge [sflag:s18], $0x2000  }
0x5a: {  	[sflag:s18] =	ssyncset.done $0x0  }
0x5b: {  	[sflag:s18] =	ssyncadd.s32 $0xFFFFE000  }
0x5c: {  	[spmem:s17] =	stream.linear.scatter [tilespmem:s20], [sflag:$0x5], $0x2000, $0x38;
	[tilespmem:$0x1E5C0] =	vst v63  }
0x5d: {  	_ =	swait.ge [sflag:s18], $0x2000  }
0x5e: {  	[sflag:s18] =	ssyncset.done $0x0  }
0x5f: {  	[sflag:s18] =	ssyncadd.s32 $0xFFFFE000  }
0x60: {  	[spmem:s19] =	stream.linear.scatter [tilespmem:s20], [sflag:$0x5], $0x2000, $0x38;
	[tilespmem:$0x1E5C0] =	vst v63  }
0x61: {  	_ =	swait.ge [sflag:s18], $0x2000  }
0x62: {  	[sflag:s18] =	ssyncset.done $0x0  }
0x63: {  	s14 =	rddreg [dreg:$0xc];
	[sflag:s18] =	ssyncadd.s32 $0xFFFFE000  }
0x64: {  	[spmem:s14] =	stream.linear.scatter [tilespmem:s20], [sflag:$0x5], $0x2000, $0x38;
	[tilespmem:$0x1E5C0] =	vst v63  }
0x65: {  	_ =	swait.ge [sflag:s18], $0x2000  }
0x66: {  	[sflag:s18] =	ssyncset.done $0x0  }
0x67: {  	[sflag:s18] =	ssyncadd.s32 $0xFFFFE000  }
0x68: {  	s15 =	simm.s32 $0x5200;
	[bflag:$0x0] =	sbarrier.arrive $0xFFFF  }
0x69: {  	[spmem:s3] =	stream.indirect.scatter.add.f32 [tilespmem:s22], [sflag:$0x5], $0x40, s15, s21, $0xb8;
	[tilespmem:$0x1E5C0] =	vst v63  }
0x6a: {  	s0 =	simm.s32 $0x200;
	_ =	swait.ge [sflag:s18], $0x2000  }
.LBB2_6:
0x6b: {  	s1 =	sshra.s32 s0, $0x2;
	[sflag:s18] =	ssyncset.done $0x0;
	p0 =	sne.s32 s0, $0x14600  }
.Ltmp2:
0x6c: {  	s1 =	sadd.s32 $0x5200, s1;
	[sflag:s18] =	ssyncadd.s32 $0xFFFFE000;
	(pc) =	sbr.rel @p0 .LBB2_6-.Ltmp2, $3  }
0x6d: {  	[spmem:s3] =	stream.indirect.scatter.add.f32 [tilespmem:s22], [sflag:$0x5], $0x40, s1, s21, $0xb8;
	[tilespmem:$0x1E5C0] =	vst v63  }
0x6e: {  	s0 =	sadd.s32 $0x200, s0;
	_ =	sdelay $0x1  }
0x6f: {  	_ =	swait.ge [sflag:s18], $0x2000  }
0x70: {  	[sflag:s18] =	ssyncset.done $0x0  }
0x71: {  	s11 =	simm.s32 $0x0;
	[sflag:s18] =	ssyncadd.s32 $0xFFFFE000  }
0x72: {  	s14 =	simm.s32 $0x12400;
	s15 =	simm.s32 $0x0;
	[bflag:$0x0] =	sbarrier.arrive $0xFFFF  }
.LBB2_8:
0x73: {  	s0 =	sshll.u32 s15, $0x7  }
0x74: {  	s0 =	sadd.s32 s8, s0  }
0x75: {  	v4 =	vmov s11;
	s0 =	sshll.u32 s0, $0x6  }
0x76: {  	v4 =	vshll.u32 v4, $0x6;
	s0 =	sand.u32 $0x3FFFFFC0, s0  }
0x77: {  	v4 =	vor.u32 v3, v4;
	s0 =	sadd.s32 s0, s3  }
0x78: {  	[tilespmem:s22], [sflag:$0x5] =	stream.linear.gather [spmem:s0], $0x2000, $0x38;
	[tilespmem:$0x1E5C0] =	vst v63  }
0x79: {  	_ =	swait.ge [sflag:s18], $0x2000  }
0x7a: {  	[sflag:s18] =	ssyncset.done $0x0  }
0x7b: {  	[sflag:s18] =	ssyncadd.s32 $0xFFFFE000  }
0x7c: {  	v4 =	vld.idx.msk [tilespmem:v4+s22+$0x0], $0xffff;
	_ =	sdelay $0x4  }
0x7d: {  	v5 =	vshra.s32 v4, $0x1;
	v4 =	vmul.f32 $5.000000000e-01, v4  }
0x7e: {  	v5 =	vsub.s32 $0x5F3759DF, v5  }
0x7f: {  	v6 =	vmul.f32 v5, v4;
	_ =	sdelay $0x1  }
0x80: {  	v6 =	vmul.f32 v5, v6;
	_ =	sdelay $0x1  }
0x81: {  	v6 =	vsub.f32 $1.500000000e+00, v6;
	_ =	sdelay $0x1  }
0x82: {  	v5 =	vmul.f32 v5, v6;
	_ =	sdelay $0x1  }
0x83: {  	v6 =	vmul.f32 v5, v4;
	_ =	sdelay $0x1  }
0x84: {  	v6 =	vmul.f32 v6, v5;
	_ =	sdelay $0x1  }
0x85: {  	v6 =	vsub.f32 $1.500000000e+00, v6;
	_ =	sdelay $0x1  }
0x86: {  	v5 =	vmul.f32 v6, v5;
	_ =	sdelay $0x1  }
0x87: {  	v4 =	vmul.f32 v5, v4  }
0x88: {  	s1 =	simm.s32 $0x10  }
0x89: {  	v6 =	vmov s1;
	v4 =	vmul.f32 v4, v5  }
0x8a: {  	v6 =	vshll.u32 v6, $0x6  }
0x8b: {  	v6 =	vor.u32 v3, v6;
	v4 =	vsub.f32 $1.500000000e+00, v4;
	_ =	sdelay $0x1  }
0x8c: {  	v4 =	vmul.f32 v4, v5;
	_ =	sdelay $0x1  }
0x8d: {  	[tilespmem:s14+$0x0] =	vst v4  }
0x8e: {  	v4 =	vld.idx.msk [tilespmem:v6+s22+$0x0], $0xffff;
	_ =	sdelay $0x4  }
0x8f: {  	v5 =	vshra.s32 v4, $0x1;
	v6 =	vmul.f32 $5.000000000e-01, v4  }
0x90: {  	v4 =	vsub.s32 $0x5F3759DF, v5  }
0x91: {  	v5 =	vmul.f32 v4, v6;
	_ =	sdelay $0x1  }
0x92: {  	v5 =	vmul.f32 v4, v5;
	_ =	sdelay $0x1  }
0x93: {  	v5 =	vsub.f32 $1.500000000e+00, v5;
	_ =	sdelay $0x1  }
0x94: {  	v4 =	vmul.f32 v4, v5;
	_ =	sdelay $0x1  }
0x95: {  	v5 =	vmul.f32 v4, v6;
	_ =	sdelay $0x1  }
0x96: {  	v5 =	vmul.f32 v5, v4;
	_ =	sdelay $0x1  }
0x97: {  	v5 =	vsub.f32 $1.500000000e+00, v5;
	_ =	sdelay $0x1  }
0x98: {  	v4 =	vmul.f32 v5, v4;
	_ =	sdelay $0x1  }
0x99: {  	v5 =	vmul.f32 v4, v6  }
0x9a: {  	s9 =	simm.s32 $0x20  }
0x9b: {  	s0 =	smov.u32 s14;
	s1 =	simm.s32 $0x30;
	v6 =	vmov s9;
	v5 =	vmul.f32 v5, v4  }
.LBB2_9:
0x9c: {  	p0 =	sne.s32 s1, $0x70;
	v6 =	vshll.u32 v6, $0x6  }
0x9d: {  	v6 =	vor.u32 v3, v6;
	v5 =	vsub.f32 $1.500000000e+00, v5;
	_ =	sdelay $0x1  }
0x9e: {  	v4 =	vmul.f32 v5, v4  }
0x9f: {  	s0 =	sadd.s32 $0x10, s0  }
0xa0: {  	[tilespmem:s0+$0x0] =	vst v4  }
0xa1: {  	v4 =	vld.idx.msk [tilespmem:v6+s22+$0x0], $0xffff;
	_ =	sdelay $0x5  }
0xa2: {  	v5 =	vshra.s32 v4, $0x1;
	v6 =	vmul.f32 $5.000000000e-01, v4  }
0xa3: {  	v4 =	vsub.s32 $0x5F3759DF, v5  }
0xa4: {  	v5 =	vmul.f32 v4, v6;
	_ =	sdelay $0x1  }
0xa5: {  	v5 =	vmul.f32 v4, v5;
	_ =	sdelay $0x1  }
0xa6: {  	v5 =	vsub.f32 $1.500000000e+00, v5;
	_ =	sdelay $0x1  }
0xa7: {  	v4 =	vmul.f32 v4, v5;
	_ =	sdelay $0x1  }
0xa8: {  	v5 =	vmul.f32 v4, v6;
	_ =	sdelay $0x1  }
0xa9: {  	v5 =	vmul.f32 v5, v4;
	_ =	sdelay $0x1  }
0xaa: {  	v5 =	vsub.f32 $1.500000000e+00, v5;
	_ =	sdelay $0x1  }
.Ltmp3:
0xab: {  	v4 =	vmul.f32 v5, v4;
	(pc) =	sbr.rel @p0 .LBB2_9-.Ltmp3, $3  }
0xac: {  	_ = 	snop  }
0xad: {  	v5 =	vmul.f32 v4, v6;
	_ =	sdelay $0x1  }
0xae: {  	v6 =	vmov s1;
	s1 =	sadd.s32 $0x10, s1;
	v5 =	vmul.f32 v5, v4  }
0xaf: {  	v6 =	vshll.u32 v6, $0x6  }
0xb0: {  	v6 =	vor.u32 v3, v6;
	v5 =	vsub.f32 $1.500000000e+00, v5;
	_ =	sdelay $0x1  }
0xb1: {  	v4 =	vmul.f32 v5, v4  }
0xb2: {  	s0 =	sadd.s32 $0x10, s0  }
0xb3: {  	[tilespmem:s0+$0x0] =	vst v4  }
0xb4: {  	v4 =	vld.idx.msk [tilespmem:v6+s22+$0x0], $0xffff;
	_ =	sdelay $0x4  }
0xb5: {  	v5 =	vshra.s32 v4, $0x1;
	v4 =	vmul.f32 $5.000000000e-01, v4  }
0xb6: {  	v5 =	vsub.s32 $0x5F3759DF, v5  }
0xb7: {  	v63 =	vmul.f32 v5, v4;
	_ =	sdelay $0x1  }
0xb8: {  	v6 =	vmul.f32 v5, v63;
	_ =	sdelay $0x1  }
0xb9: {  	v6 =	vsub.f32 $1.500000000e+00, v6;
	_ =	sdelay $0x1  }
0xba: {  	v5 =	vmul.f32 v5, v6;
	_ =	sdelay $0x1  }
0xbb: {  	v6 =	vmul.f32 v5, v4;
	_ =	sdelay $0x1  }
0xbc: {  	v6 =	vmul.f32 v6, v5;
	_ =	sdelay $0x1  }
0xbd: {  	v6 =	vsub.f32 $1.500000000e+00, v6;
	_ =	sdelay $0x1  }
0xbe: {  	v5 =	vmul.f32 v6, v5;
	_ =	sdelay $0x1  }
0xbf: {  	v4 =	vmul.f32 v5, v4;
	_ =	sdelay $0x1  }
0xc0: {  	s15 =	sadd.s32 $0x1, s15;
	v4 =	vmul.f32 v4, v5  }
0xc1: {  	p0 =	sne.s32 s15, $0x5  }
.Ltmp4:
0xc2: {  	v4 =	vsub.f32 $1.500000000e+00, v4;
	(pc) =	sbr.rel @p0 .LBB2_8-.Ltmp4, $4  }
0xc3: {  	_ = 	snop  }
0xc4: {  	v4 =	vmul.f32 v4, v5  }
0xc5: {  	s0 =	sadd.s32 $0x10, s0  }
0xc6: {  	s14 =	sadd.s32 $0x80, s14;
	[tilespmem:s0+$0x0] =	vst v4  }
0xc7: {  	[bflag:$0x0] =	sbarrier.arrive $0xFFFF  }
0xc8: {  	[spmem:s12] =	stream.linear.scatter [tilespmem:s20], [sflag:$0x5], $0x2000, $0x38;
	[tilespmem:$0x1E5C0] =	vst v63  }
0xc9: {  	_ =	swait.ge [sflag:s18], $0x2000  }
0xca: {  	[sflag:s18] =	ssyncset.done $0x0  }
0xcb: {  	[sflag:s18] =	ssyncadd.s32 $0xFFFFE000  }
0xcc: {  	[spmem:s13] =	stream.linear.scatter [tilespmem:s20], [sflag:$0x5], $0x2000, $0x38;
	[tilespmem:$0x1E5C0] =	vst v63  }
0xcd: {  	_ =	swait.ge [sflag:s18], $0x2000  }
0xce: {  	[sflag:s18] =	ssyncset.done $0x0  }
0xcf: {  	[sflag:s18] =	ssyncadd.s32 $0xFFFFE000  }
0xd0: {  	[spmem:s17] =	stream.linear.scatter [tilespmem:s20], [sflag:$0x5], $0x2000, $0x38;
	[tilespmem:$0x1E5C0] =	vst v63  }
0xd1: {  	_ =	swait.ge [sflag:s18], $0x2000  }
0xd2: {  	[sflag:s18] =	ssyncset.done $0x0  }
0xd3: {  	[sflag:s18] =	ssyncadd.s32 $0xFFFFE000  }
0xd4: {  	[spmem:s19] =	stream.linear.scatter [tilespmem:s20], [sflag:$0x5], $0x2000, $0x38;
	[tilespmem:$0x1E5C0] =	vst v63  }
0xd5: {  	_ =	swait.ge [sflag:s18], $0x2000  }
0xd6: {  	[sflag:s18] =	ssyncset.done $0x0  }
0xd7: {  	s0 =	rddreg [dreg:$0xc];
	[sflag:s18] =	ssyncadd.s32 $0xFFFFE000  }
0xd8: {  	[spmem:s0] =	stream.linear.scatter [tilespmem:s20], [sflag:$0x5], $0x2000, $0x38;
	[tilespmem:$0x1E5C0] =	vst v63  }
0xd9: {  	_ =	swait.ge [sflag:s18], $0x2000  }
0xda: {  	s11 =	simm.s32 $0x12400;
	[sflag:s18] =	ssyncset.done $0x0  }
0xdb: {  	s13 =	simm.s32 $0x0;
	s0 =	simm.s32 $0x0;
	[sflag:s18] =	ssyncadd.s32 $0xFFFFE000  }
.LBB2_12:
0xdc: {  	s1 =	smul.u32 $0x7D, s13;
	_ =	sdelay $0x1  }
0xdd: {  	s1 =	sadd.s32 s1, s16  }
0xde: {  	s14 =	sshll.u32 s1, $0x3  }
0xdf: {  	v4 =	vmov s11;
	s1 =	sadd.s32 s2, s14  }
0xe0: {  	[tilespmem:s23], [sflag:$0x5] =	stream.linear.gather [hbm4b:s1+s0], $0x1F40, $0x38;
	[tilespmem:$0x1E5C0] =	vst v63  }
0xe1: {  	_ =	swait.ge [sflag:s18], $0x1F40  }
0xe2: {  	[sflag:s18] =	ssyncset.done $0x0  }
0xe3: {  	s19 =	simm.s32 $0x0;
	[sflag:s18] =	ssyncadd.s32 $0xFFFFE0C0  }
0xe4: {  	v5 =	vld.idx.msk [tilespmem:v4+s19+$0x0 ss:$0x1], $0xffff;
	_ =	sdelay $0x4  }
0xe5: {  	(v2sf) =	vpush v5, $0x0;
	_ =	sdelay $0xb  }
0xe6: {  	s1 =	simm.s32 $0x126A0  }
0xe7: {  	v5 =	vld [tilespmem:s1+$0xFFFFFFE0]  }
0xe8: {  	v6 =	vld [tilespmem:s1+$0xFFFFFFF0]  }
0xe9: {  	v7 =	vld [tilespmem:s1+$0x0];
	s9 =	spop (v2sf)  }
0xea: {  	v8 =	vld [tilespmem:s1+$0x10];
	s9 =	smul.f32 $1.000000000e+01, s9;
	_ =	sdelay $0x1  }
0xeb: {  	v5 =	vmul.f32 s9, v5  }
0xec: {  	v6 =	vmul.f32 s9, v6  }
0xed: {  	v7 =	vmul.f32 s9, v7;
	[tilespmem:s1+$0xFFFFFFE0] =	vst v5  }
0xee: {  	v5 =	vmul.f32 s9, v8;
	[tilespmem:s1+$0xFFFFFFF0] =	vst v6  }
0xef: {  	[tilespmem:s1+$0x0] =	vst v7  }
0xf0: {  	s15 =	simm.s32 $0x1;
	s9 =	simm.s32 $0x8;
	[tilespmem:s1+$0x10] =	vst v5  }
.LBB2_13:
0xf1: {  	p0 =	sne.s32 s9, $0x1F0;
	v5 =	vld.idx.msk [tilespmem:v4+s15+$0x0 ss:$0x1], $0xffff;
	_ =	sdelay $0x5  }
0xf2: {  	(v2sf) =	vpush v5, $0x0;
	_ =	sdelay $0x9  }
0xf3: {  	s1 =	sadd.s32 $0x40, s1  }
0xf4: {  	v5 =	vld [tilespmem:s1+$0xFFFFFFF0]  }
0xf5: {  	v6 =	vld [tilespmem:s1+$0x10]  }
0xf6: {  	v7 =	vld [tilespmem:s1+$0xFFFFFFE0]  }
0xf7: {  	v8 =	vld [tilespmem:s1+$0x0]  }
0xf8: {  	s15 =	spop (v2sf)  }
0xf9: {  	s15 =	smul.f32 $1.000000000e+01, s15;
	_ =	sdelay $0x1  }
0xfa: {  	v7 =	vmul.f32 s15, v7;
	v5 =	vmul.f32 s15, v5  }
.Ltmp5:
0xfb: {  	v6 =	vmul.f32 s15, v6;
	v8 =	vmul.f32 s15, v8;
	(pc) =	sbr.rel @p0 .LBB2_13-.Ltmp5, $4  }
0xfc: {  	[tilespmem:s1+$0xFFFFFFE0] =	vst v7  }
0xfd: {  	[tilespmem:s1+$0xFFFFFFF0] =	vst v5  }
0xfe: {  	[tilespmem:s1+$0x0] =	vst v8  }
0xff: {  	s15 =	sshra.s32 s9, $0x2;
	s9 =	sadd.s32 $0x4, s9;
	[tilespmem:s1+$0x10] =	vst v6  }
0x100: {  	_ =	sdelay $0x3  }
0x101: {  	v4 =	vld.idx.msk [tilespmem:v4+s15+$0x0 ss:$0x1], $0xffff;
	_ =	sdelay $0x4  }
0x102: {  	(v2sf) =	vpush v4, $0x0;
	_ =	sdelay $0xb  }
0x103: {  	s1 =	sadd.s32 $0x40, s1  }
0x104: {  	v4 =	vld [tilespmem:s1+$0xFFFFFFE0]  }
0x105: {  	v5 =	vld [tilespmem:s1+$0xFFFFFFF0]  }
0x106: {  	v6 =	vld [tilespmem:s1+$0x0];
	s9 =	spop (v2sf)  }
0x107: {  	v7 =	vld [tilespmem:s1+$0x10];
	s9 =	smul.f32 $1.000000000e+01, s9;
	_ =	sdelay $0x1  }
0x108: {  	v4 =	vmul.f32 s9, v4  }
0x109: {  	v5 =	vmul.f32 s9, v5  }
0x10a: {  	v6 =	vmul.f32 s9, v6;
	[tilespmem:s1+$0xFFFFFFE0] =	vst v4  }
0x10b: {  	s13 =	sadd.s32 $0x1, s13;
	v4 =	vmul.f32 s9, v7;
	[tilespmem:s1+$0xFFFFFFF0] =	vst v5  }
0x10c: {  	p0 =	sne.s32 s13, $0x5;
	[tilespmem:s1+$0x0] =	vst v6  }
.Ltmp6:
0x10d: {  	s19 =	sadd.s32 s7, s14;
	[tilespmem:s1+$0x10] =	vst v4;
	(pc) =	sbr.rel @p0 .LBB2_12-.Ltmp6, $4  }
0x10e: {  	[hbm4b:s19+s4] =	stream.linear.scatter [tilespmem:s23], [sflag:$0x5], $0x1F40, $0x38;
	[tilespmem:$0x1E5C0] =	vst v63  }
0x10f: {  	_ =	swait.ge [sflag:s18], $0x1F40  }
0x110: {  	[sflag:s18] =	ssyncset.done $0x0  }
0x111: {  	s11 =	sadd.s32 $0x7D, s11;
	[sflag:s18] =	ssyncadd.s32 $0xFFFFE0C0  }
0x112: {  	[bflag:$0x0] =	sbarrier.arrive $0xFFFF;
	s15 =	simm.s32 $0x0  }
.LBB2_16:
0x113: {  	s0 =	simm.s32 $0x0  }
0x114: {  	[tilespmem:s20], [sflag:$0x1] =	stream.indirect.gather [hbm4b:s7+s24], $0x40, s0, s24, $0xb8;
	[tilespmem:$0x1E5C0] =	vst v63  }
0x115: {  	_ = 	snop  }
0x116: {  	[tilespmem:s22], [sflag:$0x2] =	stream.indirect.gather [hbm4b:s7+s24], $0x40, s24, s24, $0xb8;
	[tilespmem:$0x1E5C0] =	vst v63  }
0x117: {  	_ =	swait.ge [sflag:s25], $0x4000  }
0x118: {  	[sflag:s25] =	ssyncset.done $0x0  }
0x119: {  	s13 =	simm.s32 $0x5200;
	[sflag:s25] =	ssyncadd.s32 $0xFFFFC000  }
0x11a: {  	[spmem:s3] =	stream.indirect.scatter.add.f32 [tilespmem:s20], [sflag:$0x3], $0x40, s13, s21, $0xb8;
	[tilespmem:$0x1E5C0] =	vst v63  }
0x11b: {  	s14 =	simm.s32 $0x5280  }
0x11c: {  	[spmem:s3] =	stream.indirect.scatter.add.f32 [tilespmem:s26], [sflag:$0x3], $0x40, s14, s21, $0xb8;
	[tilespmem:$0x1E5C0] =	vst v63  }
0x11d: {  	_ =	swait.ge [sflag:s28], $0x2000  }
0x11e: {  	[sflag:s28] =	ssyncset.done $0x0  }
0x11f: {  	[sflag:s28] =	ssyncadd.s32 $0xFFFFE000  }
0x120: {  	_ =	swait.ge [sflag:s28], $0x2000  }
0x121: {  	[sflag:s28] =	ssyncset.done $0x0  }
0x122: {  	s16 =	simm.s32 $0x200;
	[sflag:s28] =	ssyncadd.s32 $0xFFFFE000  }
0x123: {  	[tilespmem:s20], [sflag:$0x1] =	stream.indirect.gather [hbm4b:s7+s24], $0x40, s16, s24, $0xb8;
	[tilespmem:$0x1E5C0] =	vst v63  }
0x124: {  	_ =	swait.ge [sflag:s29], $0x4000  }
0x125: {  	[sflag:s29] =	ssyncset.done $0x0  }
0x126: {  	s17 =	simm.s32 $0x5300;
	[sflag:s29] =	ssyncadd.s32 $0xFFFFC000  }
0x127: {  	[spmem:s3] =	stream.indirect.scatter.add.f32 [tilespmem:s22], [sflag:$0x4], $0x40, s17, s21, $0xb8;
	[tilespmem:$0x1E5C0] =	vst v63  }
0x128: {  	s19 =	simm.s32 $0x5380  }
0x129: {  	[spmem:s3] =	stream.indirect.scatter.add.f32 [tilespmem:s30], [sflag:$0x4], $0x40, s19, s21, $0xb8;
	[tilespmem:$0x1E5C0] =	vst v63  }
0x12a: {  	_ =	swait.ge [sflag:s31], $0x2000  }
0x12b: {  	[sflag:s31] =	ssyncset.done $0x0  }
0x12c: {  	[sflag:s31] =	ssyncadd.s32 $0xFFFFE000  }
0x12d: {  	_ =	swait.ge [sflag:s31], $0x2000  }
0x12e: {  	[sflag:s31] =	ssyncset.done $0x0  }
0x12f: {  	s1 =	simm.s32 $0x300;
	s0 =	simm.s32 $0x800;
	[sflag:s31] =	ssyncadd.s32 $0xFFFFE000  }
.LBB2_17:
0x130: {  	[tilespmem:s22], [sflag:$0x2] =	stream.indirect.gather [hbm4b:s7+s24], $0x40, s1, s24, $0xb8;
	[tilespmem:$0x1E5C0] =	vst v63  }
0x131: {  	s1 =	smov.u32 s0  }
0x132: {  	p0 =	sne.s32 s0, $0x13800;
	s0 =	sadd.s32 $0x800, s0;
	_ =	swait.ge [sflag:s25], $0x4000  }
0x133: {  	s1 =	sshra.s32 s1, $0x2;
	[sflag:s25] =	ssyncset.done $0x0  }
0x134: {  	s9 =	sadd.s32 $0x5200, s1;
	[sflag:s25] =	ssyncadd.s32 $0xFFFFC000  }
0x135: {  	[spmem:s3] =	stream.indirect.scatter.add.f32 [tilespmem:s20], [sflag:$0x3], $0x40, s9, s21, $0xb8;
	[tilespmem:$0x1E5C0] =	vst v63  }
0x136: {  	s9 =	sadd.s32 $0x5280, s1  }
0x137: {  	[spmem:s3] =	stream.indirect.scatter.add.f32 [tilespmem:s26], [sflag:$0x3], $0x40, s9, s21, $0xb8;
	[tilespmem:$0x1E5C0] =	vst v63  }
0x138: {  	_ =	swait.ge [sflag:s28], $0x2000  }
0x139: {  	[sflag:s28] =	ssyncset.done $0x0  }
0x13a: {  	[sflag:s28] =	ssyncadd.s32 $0xFFFFE000  }
0x13b: {  	_ =	swait.ge [sflag:s28], $0x2000  }
0x13c: {  	[sflag:s28] =	ssyncset.done $0x0  }
0x13d: {  	s9 =	sadd.s32 $0x200, s1;
	[sflag:s28] =	ssyncadd.s32 $0xFFFFE000  }
0x13e: {  	[tilespmem:s20], [sflag:$0x1] =	stream.indirect.gather [hbm4b:s7+s24], $0x40, s9, s24, $0xb8;
	[tilespmem:$0x1E5C0] =	vst v63  }
0x13f: {  	_ =	swait.ge [sflag:s29], $0x4000  }
0x140: {  	[sflag:s29] =	ssyncset.done $0x0  }
0x141: {  	s9 =	sadd.s32 $0x5300, s1;
	[sflag:s29] =	ssyncadd.s32 $0xFFFFC000  }
0x142: {  	[spmem:s3] =	stream.indirect.scatter.add.f32 [tilespmem:s22], [sflag:$0x4], $0x40, s9, s21, $0xb8;
	[tilespmem:$0x1E5C0] =	vst v63  }
0x143: {  	s9 =	sadd.s32 $0x5380, s1  }
0x144: {  	[spmem:s3] =	stream.indirect.scatter.add.f32 [tilespmem:s30], [sflag:$0x4], $0x40, s9, s21, $0xb8;
	[tilespmem:$0x1E5C0] =	vst v63  }
0x145: {  	_ =	swait.ge [sflag:s31], $0x2000  }
.Ltmp7:
0x146: {  	[sflag:s31] =	ssyncset.done $0x0;
	(pc) =	sbr.rel @p0 .LBB2_17-.Ltmp7, $4  }
0x147: {  	[sflag:s31] =	ssyncadd.s32 $0xFFFFE000  }
0x148: {  	_ =	swait.ge [sflag:s31], $0x2000  }
0x149: {  	[sflag:s31] =	ssyncset.done $0x0  }
0x14a: {  	s1 =	sadd.s32 $0x300, s1;
	[sflag:s31] =	ssyncadd.s32 $0xFFFFE000  }
0x14b: {  	[tilespmem:s22], [sflag:$0x2] =	stream.indirect.gather [hbm4b:s7+s24], $0x40, s1, s24, $0xb8;
	[tilespmem:$0x1E5C0] =	vst v63  }
0x14c: {  	_ =	swait.ge [sflag:s25], $0x4000  }
0x14d: {  	[sflag:s25] =	ssyncset.done $0x0  }
0x14e: {  	s0 =	simm.s32 $0xA200;
	[sflag:s25] =	ssyncadd.s32 $0xFFFFC000  }
0x14f: {  	[spmem:s3] =	stream.indirect.scatter.add.f32 [tilespmem:s20], [sflag:$0x3], $0x40, s0, s21, $0xb8;
	[tilespmem:$0x1E5C0] =	vst v63  }
0x150: {  	s16 =	simm.s32 $0xA280  }
0x151: {  	[spmem:s3] =	stream.indirect.scatter.add.f32 [tilespmem:s26], [sflag:$0x3], $0x40, s16, s21, $0xb8;
	[tilespmem:$0x1E5C0] =	vst v63  }
0x152: {  	_ =	swait.ge [sflag:s29], $0x4000  }
0x153: {  	[sflag:s29] =	ssyncset.done $0x0  }
0x154: {  	s17 =	simm.s32 $0xA300;
	[sflag:s29] =	ssyncadd.s32 $0xFFFFC000  }
0x155: {  	[spmem:s3] =	stream.indirect.scatter.add.f32 [tilespmem:s22], [sflag:$0x4], $0x40, s17, s21, $0xb8;
	[tilespmem:$0x1E5C0] =	vst v63  }
0x156: {  	s19 =	simm.s32 $0xA380  }
0x157: {  	[spmem:s3] =	stream.indirect.scatter.add.f32 [tilespmem:s30], [sflag:$0x4], $0x40, s19, s21, $0xb8;
	[tilespmem:$0x1E5C0] =	vst v63  }
0x158: {  	_ =	swait.ge [sflag:s28], $0x2000  }
0x159: {  	[sflag:s28] =	ssyncset.done $0x0  }
0x15a: {  	[sflag:s28] =	ssyncadd.s32 $0xFFFFE000  }
0x15b: {  	_ =	swait.ge [sflag:s28], $0x2000  }
0x15c: {  	[sflag:s28] =	ssyncset.done $0x0  }
0x15d: {  	[sflag:s28] =	ssyncadd.s32 $0xFFFFE000  }
0x15e: {  	_ =	swait.ge [sflag:s31], $0x2000  }
0x15f: {  	[sflag:s31] =	ssyncset.done $0x0  }
0x160: {  	[sflag:s31] =	ssyncadd.s32 $0xFFFFE000  }
0x161: {  	_ =	swait.ge [sflag:s31], $0x2000  }
0x162: {  	[sflag:s31] =	ssyncset.done $0x0  }
0x163: {  	s9 =	simm.s32 $0x12400;
	p0 =	sne.s32 s15, $0x31;
	[sflag:s31] =	ssyncadd.s32 $0xFFFFE000  }
0x164: {  	s11 =	simm.s32 $0x0;
	s16 =	simm.s32 $0x0;
	[bflag:$0x0] =	sbarrier.arrive $0xFFFF  }
.LBB2_19:
0x165: {  	s0 =	smul.u32 $0x7D, s11;
	_ =	sdelay $0x1  }
0x166: {  	s0 =	sadd.s32 s8, s0  }
0x167: {  	s1 =	sshll.u32 s0, $0x6  }
0x168: {  	s1 =	sand.u32 $0x3FFFFFC0, s1  }
0x169: {  	s13 =	sadd.s32 s1, s3  }
0x16a: {  	[tilespmem:s20], [sflag:$0x6] =	stream.linear.gather [spmem:s13], $0x1F40, $0x38;
	[tilespmem:$0x1E5C0] =	vst v63  }
0x16b: {  	s0 =	sadd.s32 s5, s0;
	_ =	swait.ge [sflag:s10], $0x1F40  }
0x16c: {  	s0 =	sshll.u32 s0, $0x3;
	[sflag:s10] =	ssyncset.done $0x0  }
0x16d: {  	s19 =	sadd.s32 s2, s0;
	[sflag:s10] =	ssyncadd.s32 $0xFFFFE0C0  }
0x16e: {  	[tilespmem:s23], [sflag:$0x6] =	stream.linear.gather [hbm4b:s19+s16], $0x1F40, $0x38;
	[tilespmem:$0x1E5C0] =	vst v63  }
0x16f: {  	_ =	swait.ge [sflag:s10], $0x1F40  }
0x170: {  	[sflag:s10] =	ssyncset.done $0x0  }
0x171: {  	[sflag:s10] =	ssyncadd.s32 $0xFFFFE0C0  }
0x172: {  	s17 =	smov.u32 s9;
	s1 =	simm.s32 $0x0;
	s19 =	simm.s32 $0x100;
	v4 =	vld [tilespmem:s9+$0x0]  }
.LBB2_20:
0x173: {  	p1 =	sne.s32 s19, $0x7C00;
	_ =	sdelay $0x3  }
0x174: {  	(v2sf) =	vpush v4, $0x0;
	_ =	sdelay $0x7  }
0x175: {  	s12 =	sshra.s32 s1, $0x2;
	s1 =	smov.u32 s19  }
0x176: {  	v5 =	vld [tilespmem:s12+$0x126B0]  }
0x177: {  	v6 =	vld [tilespmem:s12+$0x12690]  }
0x178: {  	v7 =	vld [tilespmem:s12+$0xA430];
	[tilespmem:s12+$0xA430] =	vst v0  }
0x179: {  	v8 =	vld [tilespmem:s12+$0xA410];
	[tilespmem:s12+$0xA410] =	vst v0  }
0x17a: {  	v9 =	vld [tilespmem:s12+$0xA400];
	[tilespmem:s12+$0xA400] =	vst v0  }
0x17b: {  	v10 =	vld [tilespmem:s12+$0xA420];
	[tilespmem:s12+$0xA420] =	vst v0  }
0x17c: {  	v11 =	vld [tilespmem:s12+$0x12680];
	s14 =	spop (v2sf)  }
0x17d: {  	s14 =	smul.f32 $8.999999760e-01, s14;
	v12 =	vld [tilespmem:s12+$0x126A0];
	_ =	sdelay $0x1  }
0x17e: {  	v9 =	vmul.f32 s14, v9;
	v8 =	vmul.f32 s14, v8  }
0x17f: {  	v7 =	vmul.f32 s14, v7;
	v10 =	vmul.f32 s14, v10  }
0x180: {  	v4 =	vbroadcast v4, $0x0;
	v9 =	vadd.f32 v9, v11;
	v6 =	vadd.f32 v6, v8  }
0x181: {  	v5 =	vadd.f32 v5, v7;
	v8 =	vadd.f32 v12, v10  }
0x182: {  	[tilespmem:s12+$0x12680] =	vst v9;
	v7 =	vmul.f32 v9, v4;
	v9 =	vmul.f32 v6, v4  }
0x183: {  	[tilespmem:s12+$0x12690] =	vst v6;
	v6 =	vmul.f32 v8, v4;
	v4 =	vmul.f32 v5, v4  }
0x184: {  	[tilespmem:s12+$0xE400] =	vst v7  }
0x185: {  	[tilespmem:s12+$0xE410] =	vst v9  }
.Ltmp8:
0x186: {  	[tilespmem:s12+$0xE420] =	vst v6;
	(pc) =	sbr.rel @p1 .LBB2_20-.Ltmp8, $4  }
0x187: {  	[tilespmem:s12+$0xE430] =	vst v4  }
0x188: {  	[tilespmem:s12+$0x126A0] =	vst v8  }
0x189: {  	s17 =	sadd.s32 $0x1, s17;
	[tilespmem:s12+$0x126B0] =	vst v5  }
0x18a: {  	s19 =	sadd.s32 $0x100, s19;
	v4 =	vld [tilespmem:s17+$0x0]  }
0x18b: {  	_ =	sdelay $0x3  }
0x18c: {  	(v2sf) =	vpush v4, $0x0;
	_ =	sdelay $0x9  }
0x18d: {  	s1 =	sshra.s32 s1, $0x2  }
0x18e: {  	v5 =	vld [tilespmem:s1+$0x12690]  }
0x18f: {  	v6 =	vld [tilespmem:s1+$0xA410]  }
0x190: {  	v7 =	vld [tilespmem:s1+$0xA400]  }
0x191: {  	v8 =	vld [tilespmem:s1+$0xA420]  }
0x192: {  	v9 =	vld [tilespmem:s1+$0x12680];
	s12 =	spop (v2sf)  }
0x193: {  	v10 =	vld [tilespmem:s1+$0xA430];
	s12 =	smul.f32 $8.999999760e-01, s12  }
0x194: {  	v11 =	vld [tilespmem:s1+$0x126A0]  }
0x195: {  	v12 =	vld [tilespmem:s1+$0x126B0];
	[tilespmem:s1+$0xA430] =	vst v0;
	v7 =	vmul.f32 s12, v7  }
0x196: {  	[tilespmem:s1+$0xA410] =	vst v0;
	v6 =	vmul.f32 s12, v6  }
0x197: {  	[tilespmem:s1+$0xA400] =	vst v0;
	v8 =	vmul.f32 s12, v8;
	v7 =	vadd.f32 v7, v9  }
0x198: {  	[tilespmem:s1+$0xA420] =	vst v0;
	v60 =	vmul.f32 s12, v10;
	v5 =	vadd.f32 v5, v6  }
0x199: {  	v4 =	vbroadcast v4, $0x0;
	v61 =	vadd.f32 v11, v8;
	[tilespmem:s1+$0x12680] =	vst v7  }
0x19a: {  	v62 =	vadd.f32 v12, v60;
	[tilespmem:s1+$0x12690] =	vst v5  }
0x19b: {  	v7 =	vmul.f32 v7, v4;
	[tilespmem:s1+$0x126A0] =	vst v61  }
0x19c: {  	v63 =	vmul.f32 v5, v4;
	[tilespmem:s1+$0x126B0] =	vst v62  }
0x19d: {  	v5 =	vmul.f32 v61, v4;
	[tilespmem:s1+$0xE400] =	vst v7  }
0x19e: {  	v4 =	vmul.f32 v62, v4;
	[tilespmem:s1+$0xE410] =	vst v63  }
0x19f: {  	[tilespmem:s1+$0xE420] =	vst v5  }
0x1a0: {  	s19 =	sadd.s32 s7, s0;
	[tilespmem:s1+$0xE430] =	vst v4  }
0x1a1: {  	[hbm4b:s19+s4] =	stream.linear.scatter [tilespmem:s22], [sflag:$0x6], $0x1F40, $0x38;
	[tilespmem:$0x1E5C0] =	vst v63  }
0x1a2: {  	_ =	swait.ge [sflag:s10], $0x1F40  }
0x1a3: {  	[sflag:s10] =	ssyncset.done $0x0  }
0x1a4: {  	[sflag:s10] =	ssyncadd.s32 $0xFFFFE0C0  }
0x1a5: {  	[spmem:s13] =	stream.linear.scatter [tilespmem:s20], [sflag:$0x6], $0x1F40, $0x38;
	[tilespmem:$0x1E5C0] =	vst v63  }
0x1a6: {  	s11 =	sadd.s32 $0x1, s11;
	_ =	swait.ge [sflag:s10], $0x1F40  }
0x1a7: {  	s0 =	sadd.s32 @!p0 s6, s0;
	p1 =	sne.s32 s11, $0x5;
	[sflag:s10] =	ssyncset.done $0x0  }
0x1a8: {  	s12 =	simm.s32 @!p0 $0x12680;
	s1 =	simm.s32 @!p0 $0x0;
	[sflag:s10] =	ssyncadd.s32 $0xFFFFE0C0  }
0x1a9: {  	[hbm4b:s0+s1] =	stream.linear.scatter @!p0 [tilespmem:s12], [sflag:$0x5], $0x1F40, $0x38;
	[tilespmem:$0x1E5C0] =	vst v63  }
.Ltmp9:
0x1aa: {  	_ = 	snop;
	(pc) =	sbr.rel @p1 .LBB2_19-.Ltmp9, $4  }
0x1ab: {  	s0 =	simm.s32 @!p0 $0x5  }
0x1ac: {  	_ =	swait.ge @!p0 [sflag:s0], $0x1F40  }
0x1ad: {  	[sflag:s0] =	ssyncset.done @!p0 $0x0  }
0x1ae: {  	s9 =	sadd.s32 $0x7D, s9;
	[sflag:s0] =	ssyncadd.s32 @!p0 $0xFFFFE0C0  }
0x1af: {  	s15 =	sadd.s32 $0x1, s15  }
0x1b0: {  	p0 =	sne.s32 s15, $0x32  }
.Ltmp10:
0x1b1: {  	_ = 	snop;
	(pc) =	sbr.rel @p0 .LBB2_16-.Ltmp10, $2  }
0x1b2: {  	_ =	sdelay $0x1  }
0x1b3: {  	[bflag:$0x0] =	sbarrier.arrive $0xFFFF;
	_ =	sdelay $0x1  }
0x1b4: {  	s1 =	rddreg [dreg:$0xd]  }
0x1b5: {  	s0 =	rddreg [dreg:$0x8];
	s1 =	sadd.s32 $0x1, s1  }
0x1b6: {  	p0 =	sne.s32 s1, s0  }
.Ltmp11:
0x1b7: {  	s12 =	rddreg [dreg:$0x6];
	(pc) =	sbr.rel @p0 .LBB2_1-.Ltmp11, $4  }
0x1b8: {  	s16 =	rddreg [dreg:$0x7]  }
0x1b9: {  	s13 =	rddreg [dreg:$0x9]  }
0x1ba: {  	s17 =	rddreg [dreg:$0xa]  }
0x1bb: {  	s19 =	rddreg [dreg:$0xb]  }
0x1bc: {  	_ =	sfence.sel $0x180000  }
0x1bd: {  	[bflag:$0x0] =	sbarrier.arrive $0xFFFF  }
0x1be: {  	_ =	strace $0x90000047  }
0x1bf: {  	s0 =	stileid.u32;
	[bflag:$0x2] =	sbarrier.arrive $0xFFFF  }
0x1c0: {  	p0 =	sne.s32 s0, $0x0;
	s0 =	rddreg [dreg:$0x3]  }
0x1c1: {  	s0 =	sadd.s32 @!p0 $0x100000, s0  }
0x1c2: {  	[sflag:s0] =	ssyncadd.tile.s32 @!p0 $0x1;
	_ =	shalt  }
.Lfunc_end2:
_tile_overlayer_lowered:
.L_overlay_start_2:
0x1c3: {  	(tag) =	ssettag $0x2  }
0x1c4: {  	s0 =	rddreg [dreg:$0x0];
	s2 =	stileid.u32  }
0x1c5: {  	s1 =	rddreg [dreg:$0x1];
	p0 =	sne.s32 s2, $0x0  }
0x1c6: {  	s3 =	rddreg [dreg:$0x2];
	[bflag:$0x3] =	sbarrier.arrive $0xFFFF;
	s2 =	simm.s32 @!p0 $0x1C05  }
0x1c7: {  	[timem:s3], [sflag:s2] =	dma.local @!p0 [hbm:s0], s1  }
0x1c8: {  	s0 =	simm.s32 @!p0 $0x5  }
0x1c9: {  	_ =	swait.ge @!p0 [sflag:s0], s1  }
0x1ca: {  	s1 =	ssub.s32 @!p0 $0x0, s1;
	[sflag:s0] =	ssyncset.done @!p0 $0x0  }
0x1cb: {  	[sflag:s0] =	ssyncadd.s32 @!p0 s1  }
0x1cc: {  	[bflag:$0x3] =	sbarrier.arrive $0xFFFF  }
0x1cd: {  	_ =	shalt  }

</sc_bundles>
